<compile_context>
chip_gen: v7x
topology: tpu7x:2x2x1
jax: 0.10.2.dev20260603
libtpu: 0.0.44.dev20260713+nightly
codegen_flags: <defaults>
</compile_context>

<pallas_src>
import jax
import jax.numpy as jnp
from jax import lax
from jax.experimental import pallas as pl
from jax.experimental.pallas import tpu as pltpu
from jax.experimental.pallas import tpu_sc as plsc

_B = 4
_NROWS = 197
_ED = 768
_NIDX = 99
_P = 50176
_SCALE = 127.0 / 255.0

_R_TC = 704
_R_SC = _ED - _R_TC
_RB = 64
_NT = 32
_RPT = _R_SC // _NT


def _tc_body(idx_ref, mask_ref, x_ref, b_ref, w_ref, out_ref, acc_ref):
    k = pl.program_id(0)

    blk = w_ref[...]
    acc_ref[pl.ds(k * _RB, _RB), :] = jnp.sum(
        blk.reshape(_RB, _P // 128, 128), axis=1)

    @pl.when(k == _R_TC // _RB - 1)
    def _finish():
        acc_t = jnp.transpose(acc_ref[...])
        m_tc = jnp.sum(acc_t, axis=0, keepdims=True) * _SCALE
        m_row = jnp.concatenate(
            [m_tc, jnp.zeros((1, _R_SC), jnp.float32)], axis=1) + b_ref[...]

        idx = idx_ref[...]
        mask = mask_ref[...]

        j_col = lax.broadcasted_iota(jnp.int32, (_NROWS, 1), 0)
        eq = idx == j_col
        pos = lax.broadcasted_iota(jnp.int32, (_NROWS, 128), 1)
        lastpos = jnp.max(jnp.where(eq, pos, -1), axis=1, keepdims=True)
        is_mask = jnp.any(mask == j_col, axis=1, keepdims=True)
        sel = jnp.where(eq & (pos == lastpos) & jnp.logical_not(is_mask),
                        1.0, 0.0)
        mterm = is_mask.astype(jnp.float32) * m_row
        for bi in range(_B):
            out_ref[bi] = lax.dot_general(
                sel, x_ref[bi], (((1,), (0,)), ((), ())),
                preferred_element_type=jnp.float32) + mterm


def _sc_body(w_hbm, out_hbm, buf0, buf1, sum8, sem0, sem1):
    c = lax.axis_index("c")
    s = lax.axis_index("s")
    wid = s * 2 + c
    row0 = _R_TC + wid * _RPT
    bufs = (buf0, buf1)
    sems = (sem0, sem1)
    cps = [pltpu.async_copy(w_hbm.at[row0], buf0, sem0), None]
    for r in range(_RPT):
        if r + 1 < _RPT:
            cps[(r + 1) % 2] = pltpu.async_copy(
                w_hbm.at[row0 + r + 1], bufs[(r + 1) % 2], sems[(r + 1) % 2])
        cps[r % 2].wait()
        buf_r = bufs[r % 2]

        def _red(i, accs, buf_r=buf_r):
            base = i * 256
            return tuple(
                accs[u] + buf_r[pl.ds(base + u * 16, 16)] for u in range(16))

        accs = plsc.parallel_loop(
            0, _P // 256, carry=tuple(
                jnp.zeros((16,), jnp.float32) for _ in range(16)),
            unroll=2)(_red)
        tot = accs
        while len(tot) > 1:
            tot = tuple(tot[i] + tot[i + 1] for i in range(0, len(tot), 2))
        sum8[r] = tot[0]
    pltpu.sync_copy(sum8, out_hbm.at[wid])


def _combine_body(mask_ref, scp_ref, out1_ref, out_ref):
    scp_t = jnp.transpose(scp_ref[...])
    m_sc = jnp.sum(scp_t, axis=0, keepdims=True) * _SCALE
    m_row = jnp.concatenate(
        [jnp.zeros((1, _R_TC), jnp.float32), m_sc], axis=1)
    mask = mask_ref[...]
    j_col = lax.broadcasted_iota(jnp.int32, (_NROWS, 1), 0)
    is_mask = jnp.any(mask == j_col, axis=1, keepdims=True).astype(jnp.float32)
    mterm = is_mask * m_row
    for bi in range(_B):
        out_ref[bi] = out1_ref[bi] + mterm


_sc_rowsum = pl.kernel(
    _sc_body,
    out_type=jax.ShapeDtypeStruct((_NT, _RPT, 16), jnp.float32),
    mesh=plsc.VectorSubcoreMesh(core_axis_name="c", subcore_axis_name="s",
                                num_cores=2, num_subcores=16),
    scratch_types=[
        pltpu.VMEM((_P,), jnp.float32),
        pltpu.VMEM((_P,), jnp.float32),
        pltpu.VMEM((_RPT, 16), jnp.float32),
        pltpu.SemaphoreType.DMA,
        pltpu.SemaphoreType.DMA,
    ],
    cost_estimate=pl.CostEstimate(
        flops=_R_SC * _P, transcendentals=0,
        bytes_accessed=_R_SC * _P * 4),
)


def kernel(x, sample_index, mask_index, W, b):
    idx_full = jnp.concatenate(
        [jnp.zeros((1,), sample_index.dtype), sample_index]).astype(jnp.int32)
    idx_p = jnp.full((1, 128), -1, jnp.int32).at[0, :_NIDX].set(idx_full)
    mask_p = jnp.full((1, 128), -1, jnp.int32).at[0, :98].set(
        mask_index.astype(jnp.int32))
    x_p = jnp.zeros((_B, 128, _ED), x.dtype).at[:, :_NIDX, :].set(x)
    b_row = b.reshape(1, _ED)

    scp = _sc_rowsum(W).reshape(_R_SC, 16)

    out1 = pl.pallas_call(
        _tc_body,
        grid=(_R_TC // _RB,),
        in_specs=[
            pl.BlockSpec((1, 128), lambda k: (0, 0)),
            pl.BlockSpec((1, 128), lambda k: (0, 0)),
            pl.BlockSpec((_B, 128, _ED), lambda k: (0, 0, 0)),
            pl.BlockSpec((1, _ED), lambda k: (0, 0)),
            pl.BlockSpec((_RB, _P), lambda k: (k, 0)),
        ],
        out_specs=pl.BlockSpec((_B, _NROWS, _ED), lambda k: (0, 0, 0)),
        out_shape=jax.ShapeDtypeStruct((_B, _NROWS, _ED), jnp.float32),
        scratch_shapes=[pltpu.VMEM((_R_TC, 128), jnp.float32)],
        cost_estimate=pl.CostEstimate(
            flops=_R_TC * _P + _B * _NROWS * 128 * _ED * 2,
            transcendentals=0, bytes_accessed=_R_TC * _P * 4),
    )(idx_p, mask_p, x_p, b_row, W)

    return pl.pallas_call(
        _combine_body,
        in_specs=[
            pl.BlockSpec((1, 128), lambda: (0, 0)),
            pl.BlockSpec((_R_SC, 16), lambda: (0, 0)),
            pl.BlockSpec((_B, _NROWS, _ED), lambda: (0, 0, 0)),
        ],
        out_specs=pl.BlockSpec((_B, _NROWS, _ED), lambda: (0, 0, 0)),
        out_shape=jax.ShapeDtypeStruct((_B, _NROWS, _ED), jnp.float32),
    )(mask_p, scp, out1)

# --- scband reference (transcript-rebuilt; emitter-appended) ---
"""Pipeline reference for scband-un-mask-embeeding-chan-17154099380885 (READ-ONLY COPY).

The authoritative reference and input builder live on the scoring server;
editing this copy changes nothing except your own understanding.
"""

import jax, jax.numpy as jnp
import numpy as np

B = 4
INPUT_SIZE = 224
EMBED_DIM = 768
NUM_PATCHES = 196
IN_CHANS = 64  # hardcoded in the torch module (__init__ overrides in_chans arg)
N_SAMPLE = 98
N_MASK = 98


def setup_inputs(seed: int = 0) -> dict:
    key = jax.random.key(seed)
    k1, k2, k3, k4 = jax.random.split(key, 4)
    x = jax.random.normal(k1, (B, 1 + N_SAMPLE, EMBED_DIM), dtype=jnp.float32)
    sample_index = jax.random.randint(k2, (N_SAMPLE,), 0, 196)
    mask_index = jax.random.randint(k3, (N_MASK,), 0, 196)
    # learned params of nn.Linear(input_size*input_size, embed_dim)
    W = jax.random.normal(k4, (EMBED_DIM, INPUT_SIZE * INPUT_SIZE), dtype=jnp.float32) * 0.02
    b = jnp.zeros((EMBED_DIM,), dtype=jnp.float32)
    return {"x": x, "sample_index": sample_index, "mask_index": mask_index, "W": W, "b": b}


def reference(x, sample_index, mask_index, W, b):
    batch = x.shape[0]
    # raw_inputs = ones * 127/255, expanded to batch, reshaped to (b, 64, H*W)
    raw = jnp.ones((batch, IN_CHANS, INPUT_SIZE * INPUT_SIZE), dtype=jnp.float32) * (127.0 / 255.0)
    # proj: Linear(H*W -> embed_dim) applied to last dim -> (b, 64, embed_dim)
    patch_emb = jnp.einsum('bcp,ep->bce', raw, W) + b
    decoder = jnp.zeros((batch, 1 + NUM_PATCHES, EMBED_DIM), dtype=jnp.float32)
    # decoder[:, [0] + sample_index, :] = x
    idx = jnp.concatenate([jnp.zeros((1,), dtype=sample_index.dtype), sample_index])
    decoder = decoder.at[:, idx, :].set(x)
    # decoder[:, mask_index, :] = patch_emb[0, 0, :] (broadcast single vector)
    decoder = decoder.at[:, mask_index, :].set(
        jnp.broadcast_to(patch_emb[0, 0, :], (batch, mask_index.shape[0], EMBED_DIM))
    )
    return decoder

if __name__ == "__main__":
    import jax
    _d = setup_inputs()
    print(jax.jit(kernel)(*tuple(_d.values())))

</pallas_src>

<mosaic_0001>
#map = affine_map<(d0, d1) -> (0, 0)>
#map1 = affine_map<(d0, d1) -> (0, 0, 0)>
module attributes {stable_mosaic.version = 14 : i64} {
  func.func @_sc_body(%arg0: i32, %arg1: i32, %arg2: memref<768x50176xf32, #tpu.memory_space<hbm>>, %arg3: memref<32x2x16xf32, #tpu.memory_space<hbm>>, %arg4: memref<50176xf32, #tpu.memory_space<vmem>>, %arg5: memref<50176xf32, #tpu.memory_space<vmem>>, %arg6: memref<2x16xf32, #tpu.memory_space<vmem>>, %arg7: memref<!tpu.dma_semaphore, #tpu.memory_space<semaphore_mem>>, %arg8: memref<!tpu.dma_semaphore, #tpu.memory_space<semaphore_mem>>) attributes {dimension_semantics = [#tpu.dimension_semantics<core_parallel>, #tpu.dimension_semantics<subcore_parallel>], iteration_bounds = array<i64: 2, 16>, scalar_prefetch = 0 : i64, scratch_operands = 5 : i64, tpu.core_type = #tpu.core_type<sc_vector_subcore>, window_params = [{transform_indices = #map}, {transform_indices = #map1}]} {
    %mul3A = arith.constant 2 : i32
    %mul3A_0 = arith.muli %arg1, %mul3A : i32
    %add3A = arith.addi %mul3A_0, %arg0 : i32
    %mul3A_1 = arith.constant 2 : i32
    %mul3A_2 = arith.muli %add3A, %mul3A_1 : i32
    %add3A_3 = arith.constant 704 : i32
    %add3A_4 = arith.addi %add3A_3, %mul3A_2 : i32
    %dma_start3A = arith.constant 0 : i32
    %dma_start3A_5 = tpu.memref_slice %arg2[%add3A_4, %dma_start3A] : memref<768x50176xf32, #tpu.memory_space<hbm>> -> memref<1x50176xf32, #tpu.memory_space<hbm>>
    %dma_start3A_6 = tpu.memref_squeeze %dma_start3A_5 : memref<1x50176xf32, #tpu.memory_space<hbm>> -> memref<50176xf32, #tpu.memory_space<hbm>>
    %dma_start3A_7 = arith.constant 0 : i32
    %dma_start3A_8 = tpu.memref_slice %arg2[%add3A_4, %dma_start3A_7] : memref<768x50176xf32, #tpu.memory_space<hbm>> -> memref<1x50176xf32, #tpu.memory_space<hbm>>
    %dma_start3A_9 = tpu.memref_squeeze %dma_start3A_8 : memref<1x50176xf32, #tpu.memory_space<hbm>> -> memref<50176xf32, #tpu.memory_space<hbm>>
    tpu.enqueue_dma source(%dma_start3A_9 : memref<50176xf32, #tpu.memory_space<hbm>>) target(%arg4 : memref<50176xf32, #tpu.memory_space<vmem>>) target_semaphore(%arg7 : memref<!tpu.dma_semaphore, #tpu.memory_space<semaphore_mem>>)
    %add3A_10 = arith.constant 0 : i32
    %add3A_11 = arith.addi %add3A_4, %add3A_10 : i32
    %add3A_12 = arith.constant 1 : i32
    %add3A_13 = arith.addi %add3A_11, %add3A_12 : i32
    %dma_start3A_14 = arith.constant 0 : i32
    %dma_start3A_15 = tpu.memref_slice %arg2[%add3A_13, %dma_start3A_14] : memref<768x50176xf32, #tpu.memory_space<hbm>> -> memref<1x50176xf32, #tpu.memory_space<hbm>>
    %dma_start3A_16 = tpu.memref_squeeze %dma_start3A_15 : memref<1x50176xf32, #tpu.memory_space<hbm>> -> memref<50176xf32, #tpu.memory_space<hbm>>
    %dma_start3A_17 = arith.constant 0 : i32
    %dma_start3A_18 = tpu.memref_slice %arg2[%add3A_13, %dma_start3A_17] : memref<768x50176xf32, #tpu.memory_space<hbm>> -> memref<1x50176xf32, #tpu.memory_space<hbm>>
    %dma_start3A_19 = tpu.memref_squeeze %dma_start3A_18 : memref<1x50176xf32, #tpu.memory_space<hbm>> -> memref<50176xf32, #tpu.memory_space<hbm>>
    tpu.enqueue_dma source(%dma_start3A_19 : memref<50176xf32, #tpu.memory_space<hbm>>) target(%arg5 : memref<50176xf32, #tpu.memory_space<vmem>>) target_semaphore(%arg8 : memref<!tpu.dma_semaphore, #tpu.memory_space<semaphore_mem>>)
    %dma_wait3A = arith.constant 0 : i32
    %dma_wait3A_20 = tpu.memref_slice %arg2[%add3A_4, %dma_wait3A] : memref<768x50176xf32, #tpu.memory_space<hbm>> -> memref<1x50176xf32, #tpu.memory_space<hbm>>
    %dma_wait3A_21 = tpu.memref_squeeze %dma_wait3A_20 : memref<1x50176xf32, #tpu.memory_space<hbm>> -> memref<50176xf32, #tpu.memory_space<hbm>>
    %dma_wait3A_22 = arith.constant 0 : i32
    %dma_wait3A_23 = tpu.memref_slice %arg2[%add3A_4, %dma_wait3A_22] : memref<768x50176xf32, #tpu.memory_space<hbm>> -> memref<1x50176xf32, #tpu.memory_space<hbm>>
    %dma_wait3A_24 = tpu.memref_squeeze %dma_wait3A_23 : memref<1x50176xf32, #tpu.memory_space<hbm>> -> memref<50176xf32, #tpu.memory_space<hbm>>
    tpu.wait_dma2 semaphore(%arg7 : memref<!tpu.dma_semaphore, #tpu.memory_space<semaphore_mem>>) src(%dma_wait3A_24 : memref<50176xf32, #tpu.memory_space<hbm>>) dst(%arg4 : memref<50176xf32, #tpu.memory_space<vmem>>)
    %broadcast_in_dim3A = arith.constant 0.000000e+00 : f32
    %broadcast_in_dim3A_25 = vector.broadcast %broadcast_in_dim3A : f32 to vector<16xf32>
    %broadcast_in_dim3A_26 = arith.constant 0.000000e+00 : f32
    %broadcast_in_dim3A_27 = vector.broadcast %broadcast_in_dim3A_26 : f32 to vector<16xf32>
    %broadcast_in_dim3A_28 = arith.constant 0.000000e+00 : f32
    %broadcast_in_dim3A_29 = vector.broadcast %broadcast_in_dim3A_28 : f32 to vector<16xf32>
    %broadcast_in_dim3A_30 = arith.constant 0.000000e+00 : f32
    %broadcast_in_dim3A_31 = vector.broadcast %broadcast_in_dim3A_30 : f32 to vector<16xf32>
    %broadcast_in_dim3A_32 = arith.constant 0.000000e+00 : f32
    %broadcast_in_dim3A_33 = vector.broadcast %broadcast_in_dim3A_32 : f32 to vector<16xf32>
    %broadcast_in_dim3A_34 = arith.constant 0.000000e+00 : f32
    %broadcast_in_dim3A_35 = vector.broadcast %broadcast_in_dim3A_34 : f32 to vector<16xf32>
    %broadcast_in_dim3A_36 = arith.constant 0.000000e+00 : f32
    %broadcast_in_dim3A_37 = vector.broadcast %broadcast_in_dim3A_36 : f32 to vector<16xf32>
    %broadcast_in_dim3A_38 = arith.constant 0.000000e+00 : f32
    %broadcast_in_dim3A_39 = vector.broadcast %broadcast_in_dim3A_38 : f32 to vector<16xf32>
    %broadcast_in_dim3A_40 = arith.constant 0.000000e+00 : f32
    %broadcast_in_dim3A_41 = vector.broadcast %broadcast_in_dim3A_40 : f32 to vector<16xf32>
    %broadcast_in_dim3A_42 = arith.constant 0.000000e+00 : f32
    %broadcast_in_dim3A_43 = vector.broadcast %broadcast_in_dim3A_42 : f32 to vector<16xf32>
    %broadcast_in_dim3A_44 = arith.constant 0.000000e+00 : f32
    %broadcast_in_dim3A_45 = vector.broadcast %broadcast_in_dim3A_44 : f32 to vector<16xf32>
    %broadcast_in_dim3A_46 = arith.constant 0.000000e+00 : f32
    %broadcast_in_dim3A_47 = vector.broadcast %broadcast_in_dim3A_46 : f32 to vector<16xf32>
    %broadcast_in_dim3A_48 = arith.constant 0.000000e+00 : f32
    %broadcast_in_dim3A_49 = vector.broadcast %broadcast_in_dim3A_48 : f32 to vector<16xf32>
    %broadcast_in_dim3A_50 = arith.constant 0.000000e+00 : f32
    %broadcast_in_dim3A_51 = vector.broadcast %broadcast_in_dim3A_50 : f32 to vector<16xf32>
    %broadcast_in_dim3A_52 = arith.constant 0.000000e+00 : f32
    %broadcast_in_dim3A_53 = vector.broadcast %broadcast_in_dim3A_52 : f32 to vector<16xf32>
    %broadcast_in_dim3A_54 = arith.constant 0.000000e+00 : f32
    %broadcast_in_dim3A_55 = vector.broadcast %broadcast_in_dim3A_54 : f32 to vector<16xf32>
    %parallel_loop3A = arith.constant 0 : i32
    %parallel_loop3A_56 = arith.constant 196 : i32
    %parallel_loop3A_57 = arith.constant 1 : i32
    %parallel_loop3A_58:16 = scf.for %parallel_loop3A_142 = %parallel_loop3A to %parallel_loop3A_56 step %parallel_loop3A_57 iter_args(%parallel_loop3A_143 = %broadcast_in_dim3A_25, %parallel_loop3A_144 = %broadcast_in_dim3A_27, %parallel_loop3A_145 = %broadcast_in_dim3A_29, %parallel_loop3A_146 = %broadcast_in_dim3A_31, %parallel_loop3A_147 = %broadcast_in_dim3A_33, %parallel_loop3A_148 = %broadcast_in_dim3A_35, %parallel_loop3A_149 = %broadcast_in_dim3A_37, %parallel_loop3A_150 = %broadcast_in_dim3A_39, %parallel_loop3A_151 = %broadcast_in_dim3A_41, %parallel_loop3A_152 = %broadcast_in_dim3A_43, %parallel_loop3A_153 = %broadcast_in_dim3A_45, %parallel_loop3A_154 = %broadcast_in_dim3A_47, %parallel_loop3A_155 = %broadcast_in_dim3A_49, %parallel_loop3A_156 = %broadcast_in_dim3A_51, %parallel_loop3A_157 = %broadcast_in_dim3A_53, %parallel_loop3A_158 = %broadcast_in_dim3A_55) -> (vector<16xf32>, vector<16xf32>, vector<16xf32>, vector<16xf32>, vector<16xf32>, vector<16xf32>, vector<16xf32>, vector<16xf32>, vector<16xf32>, vector<16xf32>, vector<16xf32>, vector<16xf32>, vector<16xf32>, vector<16xf32>, vector<16xf32>, vector<16xf32>)  : i32 {
      %parallel_loop3A_159 = arith.constant 256 : i32
      %parallel_loop3A_160 = arith.muli %parallel_loop3A_142, %parallel_loop3A_159 : i32
      %parallel_loop3A_161 = arith.constant 0 : i32
      %parallel_loop3A_162 = arith.addi %parallel_loop3A_160, %parallel_loop3A_161 : i32
      %parallel_loop3A_163 = arith.index_cast %parallel_loop3A_162 : i32 to index
      %parallel_loop3A_164 = tpu.vector_load %arg4[%parallel_loop3A_163] {strides = array<i32>} : memref<50176xf32, #tpu.memory_space<vmem>>, vector<16xf32>,
      %parallel_loop3A_165 = vector.shape_cast %parallel_loop3A_164 : vector<16xf32> to vector<16xf32>
      %parallel_loop3A_166 = arith.addf %parallel_loop3A_143, %parallel_loop3A_165 : vector<16xf32>
      %parallel_loop3A_167 = arith.constant 16 : i32
      %parallel_loop3A_168 = arith.addi %parallel_loop3A_160, %parallel_loop3A_167 : i32
      %parallel_loop3A_169 = arith.index_cast %parallel_loop3A_168 : i32 to index
      %parallel_loop3A_170 = tpu.vector_load %arg4[%parallel_loop3A_169] {strides = array<i32>} : memref<50176xf32, #tpu.memory_space<vmem>>, vector<16xf32>,
      %parallel_loop3A_171 = vector.shape_cast %parallel_loop3A_170 : vector<16xf32> to vector<16xf32>
      %parallel_loop3A_172 = arith.addf %parallel_loop3A_144, %parallel_loop3A_171 : vector<16xf32>
      %parallel_loop3A_173 = arith.constant 32 : i32
      %parallel_loop3A_174 = arith.addi %parallel_loop3A_160, %parallel_loop3A_173 : i32
      %parallel_loop3A_175 = arith.index_cast %parallel_loop3A_174 : i32 to index
      %parallel_loop3A_176 = tpu.vector_load %arg4[%parallel_loop3A_175] {strides = array<i32>} : memref<50176xf32, #tpu.memory_space<vmem>>, vector<16xf32>,
      %parallel_loop3A_177 = vector.shape_cast %parallel_loop3A_176 : vector<16xf32> to vector<16xf32>
      %parallel_loop3A_178 = arith.addf %parallel_loop3A_145, %parallel_loop3A_177 : vector<16xf32>
      %parallel_loop3A_179 = arith.constant 48 : i32
      %parallel_loop3A_180 = arith.addi %parallel_loop3A_160, %parallel_loop3A_179 : i32
      %parallel_loop3A_181 = arith.index_cast %parallel_loop3A_180 : i32 to index
      %parallel_loop3A_182 = tpu.vector_load %arg4[%parallel_loop3A_181] {strides = array<i32>} : memref<50176xf32, #tpu.memory_space<vmem>>, vector<16xf32>,
      %parallel_loop3A_183 = vector.shape_cast %parallel_loop3A_182 : vector<16xf32> to vector<16xf32>
      %parallel_loop3A_184 = arith.addf %parallel_loop3A_146, %parallel_loop3A_183 : vector<16xf32>
      %parallel_loop3A_185 = arith.constant 64 : i32
      %parallel_loop3A_186 = arith.addi %parallel_loop3A_160, %parallel_loop3A_185 : i32
      %parallel_loop3A_187 = arith.index_cast %parallel_loop3A_186 : i32 to index
      %parallel_loop3A_188 = tpu.vector_load %arg4[%parallel_loop3A_187] {strides = array<i32>} : memref<50176xf32, #tpu.memory_space<vmem>>, vector<16xf32>,
      %parallel_loop3A_189 = vector.shape_cast %parallel_loop3A_188 : vector<16xf32> to vector<16xf32>
      %parallel_loop3A_190 = arith.addf %parallel_loop3A_147, %parallel_loop3A_189 : vector<16xf32>
      %parallel_loop3A_191 = arith.constant 80 : i32
      %parallel_loop3A_192 = arith.addi %parallel_loop3A_160, %parallel_loop3A_191 : i32
      %parallel_loop3A_193 = arith.index_cast %parallel_loop3A_192 : i32 to index
      %parallel_loop3A_194 = tpu.vector_load %arg4[%parallel_loop3A_193] {strides = array<i32>} : memref<50176xf32, #tpu.memory_space<vmem>>, vector<16xf32>,
      %parallel_loop3A_195 = vector.shape_cast %parallel_loop3A_194 : vector<16xf32> to vector<16xf32>
      %parallel_loop3A_196 = arith.addf %parallel_loop3A_148, %parallel_loop3A_195 : vector<16xf32>
      %parallel_loop3A_197 = arith.constant 96 : i32
      %parallel_loop3A_198 = arith.addi %parallel_loop3A_160, %parallel_loop3A_197 : i32
      %parallel_loop3A_199 = arith.index_cast %parallel_loop3A_198 : i32 to index
      %parallel_loop3A_200 = tpu.vector_load %arg4[%parallel_loop3A_199] {strides = array<i32>} : memref<50176xf32, #tpu.memory_space<vmem>>, vector<16xf32>,
      %parallel_loop3A_201 = vector.shape_cast %parallel_loop3A_200 : vector<16xf32> to vector<16xf32>
      %parallel_loop3A_202 = arith.addf %parallel_loop3A_149, %parallel_loop3A_201 : vector<16xf32>
      %parallel_loop3A_203 = arith.constant 112 : i32
      %parallel_loop3A_204 = arith.addi %parallel_loop3A_160, %parallel_loop3A_203 : i32
      %parallel_loop3A_205 = arith.index_cast %parallel_loop3A_204 : i32 to index
      %parallel_loop3A_206 = tpu.vector_load %arg4[%parallel_loop3A_205] {strides = array<i32>} : memref<50176xf32, #tpu.memory_space<vmem>>, vector<16xf32>,
      %parallel_loop3A_207 = vector.shape_cast %parallel_loop3A_206 : vector<16xf32> to vector<16xf32>
      %parallel_loop3A_208 = arith.addf %parallel_loop3A_150, %parallel_loop3A_207 : vector<16xf32>
      %parallel_loop3A_209 = arith.constant 128 : i32
      %parallel_loop3A_210 = arith.addi %parallel_loop3A_160, %parallel_loop3A_209 : i32
      %parallel_loop3A_211 = arith.index_cast %parallel_loop3A_210 : i32 to index
      %parallel_loop3A_212 = tpu.vector_load %arg4[%parallel_loop3A_211] {strides = array<i32>} : memref<50176xf32, #tpu.memory_space<vmem>>, vector<16xf32>,
      %parallel_loop3A_213 = vector.shape_cast %parallel_loop3A_212 : vector<16xf32> to vector<16xf32>
      %parallel_loop3A_214 = arith.addf %parallel_loop3A_151, %parallel_loop3A_213 : vector<16xf32>
      %parallel_loop3A_215 = arith.constant 144 : i32
      %parallel_loop3A_216 = arith.addi %parallel_loop3A_160, %parallel_loop3A_215 : i32
      %parallel_loop3A_217 = arith.index_cast %parallel_loop3A_216 : i32 to index
      %parallel_loop3A_218 = tpu.vector_load %arg4[%parallel_loop3A_217] {strides = array<i32>} : memref<50176xf32, #tpu.memory_space<vmem>>, vector<16xf32>,
      %parallel_loop3A_219 = vector.shape_cast %parallel_loop3A_218 : vector<16xf32> to vector<16xf32>
      %parallel_loop3A_220 = arith.addf %parallel_loop3A_152, %parallel_loop3A_219 : vector<16xf32>
      %parallel_loop3A_221 = arith.constant 160 : i32
      %parallel_loop3A_222 = arith.addi %parallel_loop3A_160, %parallel_loop3A_221 : i32
      %parallel_loop3A_223 = arith.index_cast %parallel_loop3A_222 : i32 to index
      %parallel_loop3A_224 = tpu.vector_load %arg4[%parallel_loop3A_223] {strides = array<i32>} : memref<50176xf32, #tpu.memory_space<vmem>>, vector<16xf32>,
      %parallel_loop3A_225 = vector.shape_cast %parallel_loop3A_224 : vector<16xf32> to vector<16xf32>
      %parallel_loop3A_226 = arith.addf %parallel_loop3A_153, %parallel_loop3A_225 : vector<16xf32>
      %parallel_loop3A_227 = arith.constant 176 : i32
      %parallel_loop3A_228 = arith.addi %parallel_loop3A_160, %parallel_loop3A_227 : i32
      %parallel_loop3A_229 = arith.index_cast %parallel_loop3A_228 : i32 to index
      %parallel_loop3A_230 = tpu.vector_load %arg4[%parallel_loop3A_229] {strides = array<i32>} : memref<50176xf32, #tpu.memory_space<vmem>>, vector<16xf32>,
      %parallel_loop3A_231 = vector.shape_cast %parallel_loop3A_230 : vector<16xf32> to vector<16xf32>
      %parallel_loop3A_232 = arith.addf %parallel_loop3A_154, %parallel_loop3A_231 : vector<16xf32>
      %parallel_loop3A_233 = arith.constant 192 : i32
      %parallel_loop3A_234 = arith.addi %parallel_loop3A_160, %parallel_loop3A_233 : i32
      %parallel_loop3A_235 = arith.index_cast %parallel_loop3A_234 : i32 to index
      %parallel_loop3A_236 = tpu.vector_load %arg4[%parallel_loop3A_235] {strides = array<i32>} : memref<50176xf32, #tpu.memory_space<vmem>>, vector<16xf32>,
      %parallel_loop3A_237 = vector.shape_cast %parallel_loop3A_236 : vector<16xf32> to vector<16xf32>
      %parallel_loop3A_238 = arith.addf %parallel_loop3A_155, %parallel_loop3A_237 : vector<16xf32>
      %parallel_loop3A_239 = arith.constant 208 : i32
      %parallel_loop3A_240 = arith.addi %parallel_loop3A_160, %parallel_loop3A_239 : i32
      %parallel_loop3A_241 = arith.index_cast %parallel_loop3A_240 : i32 to index
      %parallel_loop3A_242 = tpu.vector_load %arg4[%parallel_loop3A_241] {strides = array<i32>} : memref<50176xf32, #tpu.memory_space<vmem>>, vector<16xf32>,
      %parallel_loop3A_243 = vector.shape_cast %parallel_loop3A_242 : vector<16xf32> to vector<16xf32>
      %parallel_loop3A_244 = arith.addf %parallel_loop3A_156, %parallel_loop3A_243 : vector<16xf32>
      %parallel_loop3A_245 = arith.constant 224 : i32
      %parallel_loop3A_246 = arith.addi %parallel_loop3A_160, %parallel_loop3A_245 : i32
      %parallel_loop3A_247 = arith.index_cast %parallel_loop3A_246 : i32 to index
      %parallel_loop3A_248 = tpu.vector_load %arg4[%parallel_loop3A_247] {strides = array<i32>} : memref<50176xf32, #tpu.memory_space<vmem>>, vector<16xf32>,
      %parallel_loop3A_249 = vector.shape_cast %parallel_loop3A_248 : vector<16xf32> to vector<16xf32>
      %parallel_loop3A_250 = arith.addf %parallel_loop3A_157, %parallel_loop3A_249 : vector<16xf32>
      %parallel_loop3A_251 = arith.constant 240 : i32
      %parallel_loop3A_252 = arith.addi %parallel_loop3A_160, %parallel_loop3A_251 : i32
      %parallel_loop3A_253 = arith.index_cast %parallel_loop3A_252 : i32 to index
      %parallel_loop3A_254 = tpu.vector_load %arg4[%parallel_loop3A_253] {strides = array<i32>} : memref<50176xf32, #tpu.memory_space<vmem>>, vector<16xf32>,
      %parallel_loop3A_255 = vector.shape_cast %parallel_loop3A_254 : vector<16xf32> to vector<16xf32>
      %parallel_loop3A_256 = arith.addf %parallel_loop3A_158, %parallel_loop3A_255 : vector<16xf32>
      scf.yield %parallel_loop3A_166, %parallel_loop3A_172, %parallel_loop3A_178, %parallel_loop3A_184, %parallel_loop3A_190, %parallel_loop3A_196, %parallel_loop3A_202, %parallel_loop3A_208, %parallel_loop3A_214, %parallel_loop3A_220, %parallel_loop3A_226, %parallel_loop3A_232, %parallel_loop3A_238, %parallel_loop3A_244, %parallel_loop3A_250, %parallel_loop3A_256 : vector<16xf32>, vector<16xf32>, vector<16xf32>, vector<16xf32>, vector<16xf32>, vector<16xf32>, vector<16xf32>, vector<16xf32>, vector<16xf32>, vector<16xf32>, vector<16xf32>, vector<16xf32>, vector<16xf32>, vector<16xf32>, vector<16xf32>, vector<16xf32>
    } {sc.loop_unroll_factor = 2 : i64, sc.parallel_access}
    %add3A_59 = arith.addf %parallel_loop3A_58#0, %parallel_loop3A_58#1 : vector<16xf32>
    %add3A_60 = arith.addf %parallel_loop3A_58#2, %parallel_loop3A_58#3 : vector<16xf32>
    %add3A_61 = arith.addf %parallel_loop3A_58#4, %parallel_loop3A_58#5 : vector<16xf32>
    %add3A_62 = arith.addf %parallel_loop3A_58#6, %parallel_loop3A_58#7 : vector<16xf32>
    %add3A_63 = arith.addf %parallel_loop3A_58#8, %parallel_loop3A_58#9 : vector<16xf32>
    %add3A_64 = arith.addf %parallel_loop3A_58#10, %parallel_loop3A_58#11 : vector<16xf32>
    %add3A_65 = arith.addf %parallel_loop3A_58#12, %parallel_loop3A_58#13 : vector<16xf32>
    %add3A_66 = arith.addf %parallel_loop3A_58#14, %parallel_loop3A_58#15 : vector<16xf32>
    %add3A_67 = arith.addf %add3A_59, %add3A_60 : vector<16xf32>
    %add3A_68 = arith.addf %add3A_61, %add3A_62 : vector<16xf32>
    %add3A_69 = arith.addf %add3A_63, %add3A_64 : vector<16xf32>
    %add3A_70 = arith.addf %add3A_65, %add3A_66 : vector<16xf32>
    %add3A_71 = arith.addf %add3A_67, %add3A_68 : vector<16xf32>
    %add3A_72 = arith.addf %add3A_69, %add3A_70 : vector<16xf32>
    %add3A_73 = arith.addf %add3A_71, %add3A_72 : vector<16xf32>
    %swap3A = arith.constant 0 : i32
    %swap3A_74 = arith.index_cast %swap3A : i32 to index
    %swap3A_75 = arith.constant 0 : index
    %swap3A_76 = tpu.vector_load %arg6[%swap3A_74, %swap3A_75] {strides = array<i32>} : memref<2x16xf32, #tpu.memory_space<vmem>>, vector<1x16xf32>,
    %swap3A_77 = vector.shape_cast %swap3A_76 : vector<1x16xf32> to vector<16xf32>
    %swap3A_78 = vector.shape_cast %add3A_73 : vector<16xf32> to vector<1x16xf32>
    tpu.vector_store %arg6[%swap3A_74, %swap3A_75], %swap3A_78 {strides = array<i32>} : memref<2x16xf32, #tpu.memory_space<vmem>>, vector<1x16xf32>,
    %dma_wait3A_79 = arith.constant 0 : i32
    %dma_wait3A_80 = tpu.memref_slice %arg2[%add3A_13, %dma_wait3A_79] : memref<768x50176xf32, #tpu.memory_space<hbm>> -> memref<1x50176xf32, #tpu.memory_space<hbm>>
    %dma_wait3A_81 = tpu.memref_squeeze %dma_wait3A_80 : memref<1x50176xf32, #tpu.memory_space<hbm>> -> memref<50176xf32, #tpu.memory_space<hbm>>
    %dma_wait3A_82 = arith.constant 0 : i32
    %dma_wait3A_83 = tpu.memref_slice %arg2[%add3A_13, %dma_wait3A_82] : memref<768x50176xf32, #tpu.memory_space<hbm>> -> memref<1x50176xf32, #tpu.memory_space<hbm>>
    %dma_wait3A_84 = tpu.memref_squeeze %dma_wait3A_83 : memref<1x50176xf32, #tpu.memory_space<hbm>> -> memref<50176xf32, #tpu.memory_space<hbm>>
    tpu.wait_dma2 semaphore(%arg8 : memref<!tpu.dma_semaphore, #tpu.memory_space<semaphore_mem>>) src(%dma_wait3A_84 : memref<50176xf32, #tpu.memory_space<hbm>>) dst(%arg5 : memref<50176xf32, #tpu.memory_space<vmem>>)
    %broadcast_in_dim3A_85 = arith.constant 0.000000e+00 : f32
    %broadcast_in_dim3A_86 = vector.broadcast %broadcast_in_dim3A_85 : f32 to vector<16xf32>
    %broadcast_in_dim3A_87 = arith.constant 0.000000e+00 : f32
    %broadcast_in_dim3A_88 = vector.broadcast %broadcast_in_dim3A_87 : f32 to vector<16xf32>
    %broadcast_in_dim3A_89 = arith.constant 0.000000e+00 : f32
    %broadcast_in_dim3A_90 = vector.broadcast %broadcast_in_dim3A_89 : f32 to vector<16xf32>
    %broadcast_in_dim3A_91 = arith.constant 0.000000e+00 : f32
    %broadcast_in_dim3A_92 = vector.broadcast %broadcast_in_dim3A_91 : f32 to vector<16xf32>
    %broadcast_in_dim3A_93 = arith.constant 0.000000e+00 : f32
    %broadcast_in_dim3A_94 = vector.broadcast %broadcast_in_dim3A_93 : f32 to vector<16xf32>
    %broadcast_in_dim3A_95 = arith.constant 0.000000e+00 : f32
    %broadcast_in_dim3A_96 = vector.broadcast %broadcast_in_dim3A_95 : f32 to vector<16xf32>
    %broadcast_in_dim3A_97 = arith.constant 0.000000e+00 : f32
    %broadcast_in_dim3A_98 = vector.broadcast %broadcast_in_dim3A_97 : f32 to vector<16xf32>
    %broadcast_in_dim3A_99 = arith.constant 0.000000e+00 : f32
    %broadcast_in_dim3A_100 = vector.broadcast %broadcast_in_dim3A_99 : f32 to vector<16xf32>
    %broadcast_in_dim3A_101 = arith.constant 0.000000e+00 : f32
    %broadcast_in_dim3A_102 = vector.broadcast %broadcast_in_dim3A_101 : f32 to vector<16xf32>
    %broadcast_in_dim3A_103 = arith.constant 0.000000e+00 : f32
    %broadcast_in_dim3A_104 = vector.broadcast %broadcast_in_dim3A_103 : f32 to vector<16xf32>
    %broadcast_in_dim3A_105 = arith.constant 0.000000e+00 : f32
    %broadcast_in_dim3A_106 = vector.broadcast %broadcast_in_dim3A_105 : f32 to vector<16xf32>
    %broadcast_in_dim3A_107 = arith.constant 0.000000e+00 : f32
    %broadcast_in_dim3A_108 = vector.broadcast %broadcast_in_dim3A_107 : f32 to vector<16xf32>
    %broadcast_in_dim3A_109 = arith.constant 0.000000e+00 : f32
    %broadcast_in_dim3A_110 = vector.broadcast %broadcast_in_dim3A_109 : f32 to vector<16xf32>
    %broadcast_in_dim3A_111 = arith.constant 0.000000e+00 : f32
    %broadcast_in_dim3A_112 = vector.broadcast %broadcast_in_dim3A_111 : f32 to vector<16xf32>
    %broadcast_in_dim3A_113 = arith.constant 0.000000e+00 : f32
    %broadcast_in_dim3A_114 = vector.broadcast %broadcast_in_dim3A_113 : f32 to vector<16xf32>
    %broadcast_in_dim3A_115 = arith.constant 0.000000e+00 : f32
    %broadcast_in_dim3A_116 = vector.broadcast %broadcast_in_dim3A_115 : f32 to vector<16xf32>
    %parallel_loop3A_117 = arith.constant 0 : i32
    %parallel_loop3A_118 = arith.constant 196 : i32
    %parallel_loop3A_119 = arith.constant 1 : i32
    %parallel_loop3A_120:16 = scf.for %parallel_loop3A_142 = %parallel_loop3A_117 to %parallel_loop3A_118 step %parallel_loop3A_119 iter_args(%parallel_loop3A_143 = %broadcast_in_dim3A_86, %parallel_loop3A_144 = %broadcast_in_dim3A_88, %parallel_loop3A_145 = %broadcast_in_dim3A_90, %parallel_loop3A_146 = %broadcast_in_dim3A_92, %parallel_loop3A_147 = %broadcast_in_dim3A_94, %parallel_loop3A_148 = %broadcast_in_dim3A_96, %parallel_loop3A_149 = %broadcast_in_dim3A_98, %parallel_loop3A_150 = %broadcast_in_dim3A_100, %parallel_loop3A_151 = %broadcast_in_dim3A_102, %parallel_loop3A_152 = %broadcast_in_dim3A_104, %parallel_loop3A_153 = %broadcast_in_dim3A_106, %parallel_loop3A_154 = %broadcast_in_dim3A_108, %parallel_loop3A_155 = %broadcast_in_dim3A_110, %parallel_loop3A_156 = %broadcast_in_dim3A_112, %parallel_loop3A_157 = %broadcast_in_dim3A_114, %parallel_loop3A_158 = %broadcast_in_dim3A_116) -> (vector<16xf32>, vector<16xf32>, vector<16xf32>, vector<16xf32>, vector<16xf32>, vector<16xf32>, vector<16xf32>, vector<16xf32>, vector<16xf32>, vector<16xf32>, vector<16xf32>, vector<16xf32>, vector<16xf32>, vector<16xf32>, vector<16xf32>, vector<16xf32>)  : i32 {
      %parallel_loop3A_159 = arith.constant 256 : i32
      %parallel_loop3A_160 = arith.muli %parallel_loop3A_142, %parallel_loop3A_159 : i32
      %parallel_loop3A_161 = arith.constant 0 : i32
      %parallel_loop3A_162 = arith.addi %parallel_loop3A_160, %parallel_loop3A_161 : i32
      %parallel_loop3A_163 = arith.index_cast %parallel_loop3A_162 : i32 to index
      %parallel_loop3A_164 = tpu.vector_load %arg5[%parallel_loop3A_163] {strides = array<i32>} : memref<50176xf32, #tpu.memory_space<vmem>>, vector<16xf32>,
      %parallel_loop3A_165 = vector.shape_cast %parallel_loop3A_164 : vector<16xf32> to vector<16xf32>
      %parallel_loop3A_166 = arith.addf %parallel_loop3A_143, %parallel_loop3A_165 : vector<16xf32>
      %parallel_loop3A_167 = arith.constant 16 : i32
      %parallel_loop3A_168 = arith.addi %parallel_loop3A_160, %parallel_loop3A_167 : i32
      %parallel_loop3A_169 = arith.index_cast %parallel_loop3A_168 : i32 to index
      %parallel_loop3A_170 = tpu.vector_load %arg5[%parallel_loop3A_169] {strides = array<i32>} : memref<50176xf32, #tpu.memory_space<vmem>>, vector<16xf32>,
      %parallel_loop3A_171 = vector.shape_cast %parallel_loop3A_170 : vector<16xf32> to vector<16xf32>
      %parallel_loop3A_172 = arith.addf %parallel_loop3A_144, %parallel_loop3A_171 : vector<16xf32>
      %parallel_loop3A_173 = arith.constant 32 : i32
      %parallel_loop3A_174 = arith.addi %parallel_loop3A_160, %parallel_loop3A_173 : i32
      %parallel_loop3A_175 = arith.index_cast %parallel_loop3A_174 : i32 to index
      %parallel_loop3A_176 = tpu.vector_load %arg5[%parallel_loop3A_175] {strides = array<i32>} : memref<50176xf32, #tpu.memory_space<vmem>>, vector<16xf32>,
      %parallel_loop3A_177 = vector.shape_cast %parallel_loop3A_176 : vector<16xf32> to vector<16xf32>
      %parallel_loop3A_178 = arith.addf %parallel_loop3A_145, %parallel_loop3A_177 : vector<16xf32>
      %parallel_loop3A_179 = arith.constant 48 : i32
      %parallel_loop3A_180 = arith.addi %parallel_loop3A_160, %parallel_loop3A_179 : i32
      %parallel_loop3A_181 = arith.index_cast %parallel_loop3A_180 : i32 to index
      %parallel_loop3A_182 = tpu.vector_load %arg5[%parallel_loop3A_181] {strides = array<i32>} : memref<50176xf32, #tpu.memory_space<vmem>>, vector<16xf32>,
      %parallel_loop3A_183 = vector.shape_cast %parallel_loop3A_182 : vector<16xf32> to vector<16xf32>
      %parallel_loop3A_184 = arith.addf %parallel_loop3A_146, %parallel_loop3A_183 : vector<16xf32>
      %parallel_loop3A_185 = arith.constant 64 : i32
      %parallel_loop3A_186 = arith.addi %parallel_loop3A_160, %parallel_loop3A_185 : i32
      %parallel_loop3A_187 = arith.index_cast %parallel_loop3A_186 : i32 to index
      %parallel_loop3A_188 = tpu.vector_load %arg5[%parallel_loop3A_187] {strides = array<i32>} : memref<50176xf32, #tpu.memory_space<vmem>>, vector<16xf32>,
      %parallel_loop3A_189 = vector.shape_cast %parallel_loop3A_188 : vector<16xf32> to vector<16xf32>
      %parallel_loop3A_190 = arith.addf %parallel_loop3A_147, %parallel_loop3A_189 : vector<16xf32>
      %parallel_loop3A_191 = arith.constant 80 : i32
      %parallel_loop3A_192 = arith.addi %parallel_loop3A_160, %parallel_loop3A_191 : i32
      %parallel_loop3A_193 = arith.index_cast %parallel_loop3A_192 : i32 to index
      %parallel_loop3A_194 = tpu.vector_load %arg5[%parallel_loop3A_193] {strides = array<i32>} : memref<50176xf32, #tpu.memory_space<vmem>>, vector<16xf32>,
      %parallel_loop3A_195 = vector.shape_cast %parallel_loop3A_194 : vector<16xf32> to vector<16xf32>
      %parallel_loop3A_196 = arith.addf %parallel_loop3A_148, %parallel_loop3A_195 : vector<16xf32>
      %parallel_loop3A_197 = arith.constant 96 : i32
      %parallel_loop3A_198 = arith.addi %parallel_loop3A_160, %parallel_loop3A_197 : i32
      %parallel_loop3A_199 = arith.index_cast %parallel_loop3A_198 : i32 to index
      %parallel_loop3A_200 = tpu.vector_load %arg5[%parallel_loop3A_199] {strides = array<i32>} : memref<50176xf32, #tpu.memory_space<vmem>>, vector<16xf32>,
      %parallel_loop3A_201 = vector.shape_cast %parallel_loop3A_200 : vector<16xf32> to vector<16xf32>
      %parallel_loop3A_202 = arith.addf %parallel_loop3A_149, %parallel_loop3A_201 : vector<16xf32>
      %parallel_loop3A_203 = arith.constant 112 : i32
      %parallel_loop3A_204 = arith.addi %parallel_loop3A_160, %parallel_loop3A_203 : i32
      %parallel_loop3A_205 = arith.index_cast %parallel_loop3A_204 : i32 to index
      %parallel_loop3A_206 = tpu.vector_load %arg5[%parallel_loop3A_205] {strides = array<i32>} : memref<50176xf32, #tpu.memory_space<vmem>>, vector<16xf32>,
      %parallel_loop3A_207 = vector.shape_cast %parallel_loop3A_206 : vector<16xf32> to vector<16xf32>
      %parallel_loop3A_208 = arith.addf %parallel_loop3A_150, %parallel_loop3A_207 : vector<16xf32>
      %parallel_loop3A_209 = arith.constant 128 : i32
      %parallel_loop3A_210 = arith.addi %parallel_loop3A_160, %parallel_loop3A_209 : i32
      %parallel_loop3A_211 = arith.index_cast %parallel_loop3A_210 : i32 to index
      %parallel_loop3A_212 = tpu.vector_load %arg5[%parallel_loop3A_211] {strides = array<i32>} : memref<50176xf32, #tpu.memory_space<vmem>>, vector<16xf32>,
      %parallel_loop3A_213 = vector.shape_cast %parallel_loop3A_212 : vector<16xf32> to vector<16xf32>
      %parallel_loop3A_214 = arith.addf %parallel_loop3A_151, %parallel_loop3A_213 : vector<16xf32>
      %parallel_loop3A_215 = arith.constant 144 : i32
      %parallel_loop3A_216 = arith.addi %parallel_loop3A_160, %parallel_loop3A_215 : i32
      %parallel_loop3A_217 = arith.index_cast %parallel_loop3A_216 : i32 to index
      %parallel_loop3A_218 = tpu.vector_load %arg5[%parallel_loop3A_217] {strides = array<i32>} : memref<50176xf32, #tpu.memory_space<vmem>>, vector<16xf32>,
      %parallel_loop3A_219 = vector.shape_cast %parallel_loop3A_218 : vector<16xf32> to vector<16xf32>
      %parallel_loop3A_220 = arith.addf %parallel_loop3A_152, %parallel_loop3A_219 : vector<16xf32>
      %parallel_loop3A_221 = arith.constant 160 : i32
      %parallel_loop3A_222 = arith.addi %parallel_loop3A_160, %parallel_loop3A_221 : i32
      %parallel_loop3A_223 = arith.index_cast %parallel_loop3A_222 : i32 to index
      %parallel_loop3A_224 = tpu.vector_load %arg5[%parallel_loop3A_223] {strides = array<i32>} : memref<50176xf32, #tpu.memory_space<vmem>>, vector<16xf32>,
      %parallel_loop3A_225 = vector.shape_cast %parallel_loop3A_224 : vector<16xf32> to vector<16xf32>
      %parallel_loop3A_226 = arith.addf %parallel_loop3A_153, %parallel_loop3A_225 : vector<16xf32>
      %parallel_loop3A_227 = arith.constant 176 : i32
      %parallel_loop3A_228 = arith.addi %parallel_loop3A_160, %parallel_loop3A_227 : i32
      %parallel_loop3A_229 = arith.index_cast %parallel_loop3A_228 : i32 to index
      %parallel_loop3A_230 = tpu.vector_load %arg5[%parallel_loop3A_229] {strides = array<i32>} : memref<50176xf32, #tpu.memory_space<vmem>>, vector<16xf32>,
      %parallel_loop3A_231 = vector.shape_cast %parallel_loop3A_230 : vector<16xf32> to vector<16xf32>
      %parallel_loop3A_232 = arith.addf %parallel_loop3A_154, %parallel_loop3A_231 : vector<16xf32>
      %parallel_loop3A_233 = arith.constant 192 : i32
      %parallel_loop3A_234 = arith.addi %parallel_loop3A_160, %parallel_loop3A_233 : i32
      %parallel_loop3A_235 = arith.index_cast %parallel_loop3A_234 : i32 to index
      %parallel_loop3A_236 = tpu.vector_load %arg5[%parallel_loop3A_235] {strides = array<i32>} : memref<50176xf32, #tpu.memory_space<vmem>>, vector<16xf32>,
      %parallel_loop3A_237 = vector.shape_cast %parallel_loop3A_236 : vector<16xf32> to vector<16xf32>
      %parallel_loop3A_238 = arith.addf %parallel_loop3A_155, %parallel_loop3A_237 : vector<16xf32>
      %parallel_loop3A_239 = arith.constant 208 : i32
      %parallel_loop3A_240 = arith.addi %parallel_loop3A_160, %parallel_loop3A_239 : i32
      %parallel_loop3A_241 = arith.index_cast %parallel_loop3A_240 : i32 to index
      %parallel_loop3A_242 = tpu.vector_load %arg5[%parallel_loop3A_241] {strides = array<i32>} : memref<50176xf32, #tpu.memory_space<vmem>>, vector<16xf32>,
      %parallel_loop3A_243 = vector.shape_cast %parallel_loop3A_242 : vector<16xf32> to vector<16xf32>
      %parallel_loop3A_244 = arith.addf %parallel_loop3A_156, %parallel_loop3A_243 : vector<16xf32>
      %parallel_loop3A_245 = arith.constant 224 : i32
      %parallel_loop3A_246 = arith.addi %parallel_loop3A_160, %parallel_loop3A_245 : i32
      %parallel_loop3A_247 = arith.index_cast %parallel_loop3A_246 : i32 to index
      %parallel_loop3A_248 = tpu.vector_load %arg5[%parallel_loop3A_247] {strides = array<i32>} : memref<50176xf32, #tpu.memory_space<vmem>>, vector<16xf32>,
      %parallel_loop3A_249 = vector.shape_cast %parallel_loop3A_248 : vector<16xf32> to vector<16xf32>
      %parallel_loop3A_250 = arith.addf %parallel_loop3A_157, %parallel_loop3A_249 : vector<16xf32>
      %parallel_loop3A_251 = arith.constant 240 : i32
      %parallel_loop3A_252 = arith.addi %parallel_loop3A_160, %parallel_loop3A_251 : i32
      %parallel_loop3A_253 = arith.index_cast %parallel_loop3A_252 : i32 to index
      %parallel_loop3A_254 = tpu.vector_load %arg5[%parallel_loop3A_253] {strides = array<i32>} : memref<50176xf32, #tpu.memory_space<vmem>>, vector<16xf32>,
      %parallel_loop3A_255 = vector.shape_cast %parallel_loop3A_254 : vector<16xf32> to vector<16xf32>
      %parallel_loop3A_256 = arith.addf %parallel_loop3A_158, %parallel_loop3A_255 : vector<16xf32>
      scf.yield %parallel_loop3A_166, %parallel_loop3A_172, %parallel_loop3A_178, %parallel_loop3A_184, %parallel_loop3A_190, %parallel_loop3A_196, %parallel_loop3A_202, %parallel_loop3A_208, %parallel_loop3A_214, %parallel_loop3A_220, %parallel_loop3A_226, %parallel_loop3A_232, %parallel_loop3A_238, %parallel_loop3A_244, %parallel_loop3A_250, %parallel_loop3A_256 : vector<16xf32>, vector<16xf32>, vector<16xf32>, vector<16xf32>, vector<16xf32>, vector<16xf32>, vector<16xf32>, vector<16xf32>, vector<16xf32>, vector<16xf32>, vector<16xf32>, vector<16xf32>, vector<16xf32>, vector<16xf32>, vector<16xf32>, vector<16xf32>
    } {sc.loop_unroll_factor = 2 : i64, sc.parallel_access}
    %add3A_121 = arith.addf %parallel_loop3A_120#0, %parallel_loop3A_120#1 : vector<16xf32>
    %add3A_122 = arith.addf %parallel_loop3A_120#2, %parallel_loop3A_120#3 : vector<16xf32>
    %add3A_123 = arith.addf %parallel_loop3A_120#4, %parallel_loop3A_120#5 : vector<16xf32>
    %add3A_124 = arith.addf %parallel_loop3A_120#6, %parallel_loop3A_120#7 : vector<16xf32>
    %add3A_125 = arith.addf %parallel_loop3A_120#8, %parallel_loop3A_120#9 : vector<16xf32>
    %add3A_126 = arith.addf %parallel_loop3A_120#10, %parallel_loop3A_120#11 : vector<16xf32>
    %add3A_127 = arith.addf %parallel_loop3A_120#12, %parallel_loop3A_120#13 : vector<16xf32>
    %add3A_128 = arith.addf %parallel_loop3A_120#14, %parallel_loop3A_120#15 : vector<16xf32>
    %add3A_129 = arith.addf %add3A_121, %add3A_122 : vector<16xf32>
    %add3A_130 = arith.addf %add3A_123, %add3A_124 : vector<16xf32>
    %add3A_131 = arith.addf %add3A_125, %add3A_126 : vector<16xf32>
    %add3A_132 = arith.addf %add3A_127, %add3A_128 : vector<16xf32>
    %add3A_133 = arith.addf %add3A_129, %add3A_130 : vector<16xf32>
    %add3A_134 = arith.addf %add3A_131, %add3A_132 : vector<16xf32>
    %add3A_135 = arith.addf %add3A_133, %add3A_134 : vector<16xf32>
    %swap3A_136 = arith.constant 1 : i32
    %swap3A_137 = arith.index_cast %swap3A_136 : i32 to index
    %swap3A_138 = arith.constant 0 : index
    %swap3A_139 = tpu.vector_load %arg6[%swap3A_137, %swap3A_138] {strides = array<i32>} : memref<2x16xf32, #tpu.memory_space<vmem>>, vector<1x16xf32>,
    %swap3A_140 = vector.shape_cast %swap3A_139 : vector<1x16xf32> to vector<16xf32>
    %swap3A_141 = vector.shape_cast %add3A_135 : vector<16xf32> to vector<1x16xf32>
    tpu.vector_store %arg6[%swap3A_137, %swap3A_138], %swap3A_141 {strides = array<i32>} : memref<2x16xf32, #tpu.memory_space<vmem>>, vector<1x16xf32>,
    "tpu.region"() ({
      %run_scoped3A = tpu.sem_alloc : memref<!tpu.dma_semaphore, #tpu.memory_space<semaphore_mem>>
      %dma_start3A_142 = arith.constant 0 : i32
      %dma_start3A_143 = arith.constant 0 : i32
      %dma_start3A_144 = tpu.memref_slice %arg3[%add3A, %dma_start3A_142, %dma_start3A_143] : memref<32x2x16xf32, #tpu.memory_space<hbm>> -> memref<1x2x16xf32, #tpu.memory_space<hbm>>
      %dma_start3A_145 = tpu.memref_squeeze %dma_start3A_144 : memref<1x2x16xf32, #tpu.memory_space<hbm>> -> memref<2x16xf32, #tpu.memory_space<hbm>>
      %dma_start3A_146 = arith.constant 0 : i32
      %dma_start3A_147 = arith.constant 0 : i32
      %dma_start3A_148 = tpu.memref_slice %arg3[%add3A, %dma_start3A_146, %dma_start3A_147] : memref<32x2x16xf32, #tpu.memory_space<hbm>> -> memref<1x2x16xf32, #tpu.memory_space<hbm>>
      %dma_start3A_149 = tpu.memref_squeeze %dma_start3A_148 : memref<1x2x16xf32, #tpu.memory_space<hbm>> -> memref<2x16xf32, #tpu.memory_space<hbm>>
      tpu.enqueue_dma source(%arg6 : memref<2x16xf32, #tpu.memory_space<vmem>>) target(%dma_start3A_149 : memref<2x16xf32, #tpu.memory_space<hbm>>) target_semaphore(%run_scoped3A : memref<!tpu.dma_semaphore, #tpu.memory_space<semaphore_mem>>)
      %dma_wait3A_150 = arith.constant 0 : i32
      %dma_wait3A_151 = arith.constant 0 : i32
      %dma_wait3A_152 = tpu.memref_slice %arg3[%add3A, %dma_wait3A_150, %dma_wait3A_151] : memref<32x2x16xf32, #tpu.memory_space<hbm>> -> memref<1x2x16xf32, #tpu.memory_space<hbm>>
      %dma_wait3A_153 = tpu.memref_squeeze %dma_wait3A_152 : memref<1x2x16xf32, #tpu.memory_space<hbm>> -> memref<2x16xf32, #tpu.memory_space<hbm>>
      %dma_wait3A_154 = arith.constant 0 : i32
      %dma_wait3A_155 = arith.constant 0 : i32
      %dma_wait3A_156 = tpu.memref_slice %arg3[%add3A, %dma_wait3A_154, %dma_wait3A_155] : memref<32x2x16xf32, #tpu.memory_space<hbm>> -> memref<1x2x16xf32, #tpu.memory_space<hbm>>
      %dma_wait3A_157 = tpu.memref_squeeze %dma_wait3A_156 : memref<1x2x16xf32, #tpu.memory_space<hbm>> -> memref<2x16xf32, #tpu.memory_space<hbm>>
      tpu.wait_dma2 semaphore(%run_scoped3A : memref<!tpu.dma_semaphore, #tpu.memory_space<semaphore_mem>>) src(%arg6 : memref<2x16xf32, #tpu.memory_space<vmem>>) dst(%dma_wait3A_157 : memref<2x16xf32, #tpu.memory_space<hbm>>)
      tpu.yield
    }) : () -> ()
    return
  }
}

module attributes {stable_mosaic.version = 14 : i64} {
  func.func @_combine_body(%arg0: memref<1x128xi32, #tpu.memory_space<vmem>>, %arg1: memref<64x16xf32, #tpu.memory_space<vmem>>, %arg2: memref<4x197x768xf32, #tpu.memory_space<vmem>>, %arg3: memref<4x197x768xf32, #tpu.memory_space<vmem>>) attributes {dimension_semantics = [], scalar_prefetch = 0 : i64, scratch_operands = 0 : i64, tpu.core_type = #tpu.core_type<tc>} {
    %get3A = arith.constant 0 : index
    %get3A_0 = arith.constant 0 : index
    %get3A_1 = vector.load %arg1[%get3A, %get3A_0] : memref<64x16xf32, #tpu.memory_space<vmem>>, vector<64x16xf32>
    %transpose3A = tpu.transpose %get3A_1, [1, 0] : vector<64x16xf32> -> vector<16x64xf32>
    %reduce_sum3A = arith.constant dense<0.000000e+00> : vector<64xf32>
    %reduce_sum3A_2 = vector.multi_reduction <add>, %transpose3A, %reduce_sum3A [0] : vector<16x64xf32> to vector<64xf32>
    %broadcast_in_dim3A = vector.shape_cast %reduce_sum3A_2 : vector<64xf32> to vector<1x64xf32>
    %mul3A = arith.constant 0.498039216 : f32
    %mul3A_3 = vector.broadcast %mul3A : f32 to vector<1x64xf32>
    %mul3A_4 = arith.mulf %broadcast_in_dim3A, %mul3A_3 : vector<1x64xf32>
    %broadcast_in_dim3A_5 = arith.constant 0.000000e+00 : f32
    %broadcast_in_dim3A_6 = vector.broadcast %broadcast_in_dim3A_5 : f32 to vector<1x704xf32>
    %concatenate3A = tpu.concatenate %broadcast_in_dim3A_6, %mul3A_4 in 1 : vector<1x704xf32>, vector<1x64xf32> -> vector<1x768xf32>
    %get3A_7 = arith.constant 0 : index
    %get3A_8 = arith.constant 0 : index
    %get3A_9 = vector.load %arg0[%get3A_7, %get3A_8] : memref<1x128xi32, #tpu.memory_space<vmem>>, vector<1x128xi32>
    %iota3A = tpu.iota {dimensions = array<i32: 0>} : vector<197x1xi32>
    %eq3A = vector.broadcast %get3A_9 : vector<1x128xi32> to vector<197x128xi32>
    %eq3A_10 = vector.broadcast %iota3A : vector<197x1xi32> to vector<197x128xi32>
    %eq3A_11 = arith.cmpi eq, %eq3A, %eq3A_10 : vector<197x128xi32>
    %reduce_or3A = arith.constant 1.000000e+00 : f32
    %reduce_or3A_12 = arith.constant 0.000000e+00 : f32
    %reduce_or3A_13 = vector.broadcast %reduce_or3A : f32 to vector<197x128xf32>
    %reduce_or3A_14 = vector.broadcast %reduce_or3A_12 : f32 to vector<197x128xf32>
    %reduce_or3A_15 = arith.select %eq3A_11, %reduce_or3A_13, %reduce_or3A_14 : vector<197x128xi1>, vector<197x128xf32>
    %reduce_or3A_16 = arith.constant dense<0xFF800000> : vector<197xf32>
    %reduce_or3A_17 = vector.multi_reduction <maximumf>, %reduce_or3A_15, %reduce_or3A_16 [1] : vector<197x128xf32> to vector<197xf32>
    %reduce_or3A_18 = arith.constant 0.000000e+00 : f32
    %reduce_or3A_19 = vector.broadcast %reduce_or3A_18 : f32 to vector<197xf32>
    %reduce_or3A_20 = arith.cmpf ogt, %reduce_or3A_17, %reduce_or3A_19 : vector<197xf32>
    %broadcast_in_dim3A_21 = vector.shape_cast %reduce_or3A_20 : vector<197xi1> to vector<197x1xi1>
    %convert_element_type3A = arith.extui %broadcast_in_dim3A_21 : vector<197x1xi1> to vector<197x1xi32>
    %convert_element_type3A_22 = arith.sitofp %convert_element_type3A : vector<197x1xi32> to vector<197x1xf32>
    %mul3A_23 = vector.broadcast %convert_element_type3A_22 : vector<197x1xf32> to vector<197x768xf32>
    %mul3A_24 = vector.broadcast %concatenate3A : vector<1x768xf32> to vector<197x768xf32>
    %mul3A_25 = arith.mulf %mul3A_23, %mul3A_24 : vector<197x768xf32>
    %get3A_26 = arith.constant 0 : index
    %get3A_27 = arith.constant 0 : index
    %get3A_28 = arith.constant 0 : index
    %get3A_29 = vector.load %arg2[%get3A_26, %get3A_27, %get3A_28] : memref<4x197x768xf32, #tpu.memory_space<vmem>>, vector<1x197x768xf32>
    %get3A_30 = vector.shape_cast %get3A_29 : vector<1x197x768xf32> to vector<197x768xf32>
    %add3A = arith.addf %get3A_30, %mul3A_25 : vector<197x768xf32>
    %swap3A = arith.constant 0 : index
    %swap3A_31 = arith.constant 0 : index
    %swap3A_32 = arith.constant 0 : index
    %swap3A_33 = vector.load %arg3[%swap3A, %swap3A_31, %swap3A_32] : memref<4x197x768xf32, #tpu.memory_space<vmem>>, vector<1x197x768xf32>
    %swap3A_34 = vector.shape_cast %swap3A_33 : vector<1x197x768xf32> to vector<197x768xf32>
    %swap3A_35 = vector.shape_cast %add3A : vector<197x768xf32> to vector<1x197x768xf32>
    tpu.vector_store %arg3[%swap3A, %swap3A_31, %swap3A_32], %swap3A_35 {strides = array<i32>} : memref<4x197x768xf32, #tpu.memory_space<vmem>>, vector<1x197x768xf32>,
    %get3A_36 = arith.constant 1 : index
    %get3A_37 = arith.constant 0 : index
    %get3A_38 = arith.constant 0 : index
    %get3A_39 = vector.load %arg2[%get3A_36, %get3A_37, %get3A_38] : memref<4x197x768xf32, #tpu.memory_space<vmem>>, vector<1x197x768xf32>
    %get3A_40 = vector.shape_cast %get3A_39 : vector<1x197x768xf32> to vector<197x768xf32>
    %add3A_41 = arith.addf %get3A_40, %mul3A_25 : vector<197x768xf32>
    %swap3A_42 = arith.constant 1 : index
    %swap3A_43 = arith.constant 0 : index
    %swap3A_44 = arith.constant 0 : index
    %swap3A_45 = vector.load %arg3[%swap3A_42, %swap3A_43, %swap3A_44] : memref<4x197x768xf32, #tpu.memory_space<vmem>>, vector<1x197x768xf32>
    %swap3A_46 = vector.shape_cast %swap3A_45 : vector<1x197x768xf32> to vector<197x768xf32>
    %swap3A_47 = vector.shape_cast %add3A_41 : vector<197x768xf32> to vector<1x197x768xf32>
    tpu.vector_store %arg3[%swap3A_42, %swap3A_43, %swap3A_44], %swap3A_47 {strides = array<i32>} : memref<4x197x768xf32, #tpu.memory_space<vmem>>, vector<1x197x768xf32>,
    %get3A_48 = arith.constant 2 : index
    %get3A_49 = arith.constant 0 : index
    %get3A_50 = arith.constant 0 : index
    %get3A_51 = vector.load %arg2[%get3A_48, %get3A_49, %get3A_50] : memref<4x197x768xf32, #tpu.memory_space<vmem>>, vector<1x197x768xf32>
    %get3A_52 = vector.shape_cast %get3A_51 : vector<1x197x768xf32> to vector<197x768xf32>
    %add3A_53 = arith.addf %get3A_52, %mul3A_25 : vector<197x768xf32>
    %swap3A_54 = arith.constant 2 : index
    %swap3A_55 = arith.constant 0 : index
    %swap3A_56 = arith.constant 0 : index
    %swap3A_57 = vector.load %arg3[%swap3A_54, %swap3A_55, %swap3A_56] : memref<4x197x768xf32, #tpu.memory_space<vmem>>, vector<1x197x768xf32>
    %swap3A_58 = vector.shape_cast %swap3A_57 : vector<1x197x768xf32> to vector<197x768xf32>
    %swap3A_59 = vector.shape_cast %add3A_53 : vector<197x768xf32> to vector<1x197x768xf32>
    tpu.vector_store %arg3[%swap3A_54, %swap3A_55, %swap3A_56], %swap3A_59 {strides = array<i32>} : memref<4x197x768xf32, #tpu.memory_space<vmem>>, vector<1x197x768xf32>,
    %get3A_60 = arith.constant 3 : index
    %get3A_61 = arith.constant 0 : index
    %get3A_62 = arith.constant 0 : index
    %get3A_63 = vector.load %arg2[%get3A_60, %get3A_61, %get3A_62] : memref<4x197x768xf32, #tpu.memory_space<vmem>>, vector<1x197x768xf32>
    %get3A_64 = vector.shape_cast %get3A_63 : vector<1x197x768xf32> to vector<197x768xf32>
    %add3A_65 = arith.addf %get3A_64, %mul3A_25 : vector<197x768xf32>
    %swap3A_66 = arith.constant 3 : index
    %swap3A_67 = arith.constant 0 : index
    %swap3A_68 = arith.constant 0 : index
    %swap3A_69 = vector.load %arg3[%swap3A_66, %swap3A_67, %swap3A_68] : memref<4x197x768xf32, #tpu.memory_space<vmem>>, vector<1x197x768xf32>
    %swap3A_70 = vector.shape_cast %swap3A_69 : vector<1x197x768xf32> to vector<197x768xf32>
    %swap3A_71 = vector.shape_cast %add3A_65 : vector<197x768xf32> to vector<1x197x768xf32>
    tpu.vector_store %arg3[%swap3A_66, %swap3A_67, %swap3A_68], %swap3A_71 {strides = array<i32>} : memref<4x197x768xf32, #tpu.memory_space<vmem>>, vector<1x197x768xf32>,
    return
  }
}

module attributes {stable_mosaic.version = 14 : i64} {
  func.func @_tc_body(%arg0: i32, %arg1: memref<1x128xi32, #tpu.memory_space<vmem>>, %arg2: memref<1x128xi32, #tpu.memory_space<vmem>>, %arg3: memref<4x128x768xf32, #tpu.memory_space<vmem>>, %arg4: memref<1x768xf32, #tpu.memory_space<vmem>>, %arg5: memref<64x50176xf32, #tpu.memory_space<vmem>>, %arg6: memref<4x197x768xf32, #tpu.memory_space<vmem>>, %arg7: memref<704x128xf32, #tpu.memory_space<vmem>>) attributes {dimension_semantics = [#tpu.dimension_semantics<arbitrary>], iteration_bounds = array<i64: 11>, scalar_prefetch = 0 : i64, scratch_operands = 1 : i64, tpu.core_type = #tpu.core_type<tc>, window_params = [{pipeline_mode = #tpu.pipeline_mode<synchronous>, transform_indices = @transform_0, window_bounds = array<i64: 1, 128>}, {pipeline_mode = #tpu.pipeline_mode<synchronous>, transform_indices = @transform_1, window_bounds = array<i64: 1, 128>}, {pipeline_mode = #tpu.pipeline_mode<synchronous>, transform_indices = @transform_2, window_bounds = array<i64: 4, 128, 768>}, {pipeline_mode = #tpu.pipeline_mode<synchronous>, transform_indices = @transform_3, window_bounds = array<i64: 1, 768>}, {transform_indices = @transform_4, window_bounds = array<i64: 64, 50176>}, {pipeline_mode = #tpu.pipeline_mode<synchronous>, transform_indices = @transform_5, window_bounds = array<i64: 4, 197, 768>}]} {
    %get3A = arith.constant 0 : index
    %get3A_0 = arith.constant 0 : index
    %get3A_1 = vector.load %arg5[%get3A, %get3A_0] : memref<64x50176xf32, #tpu.memory_space<vmem>>, vector<64x50176xf32>
    %reshape3A = vector.shape_cast %get3A_1 : vector<64x50176xf32> to vector<64x392x128xf32>
    %reduce_sum3A = arith.constant dense<0.000000e+00> : vector<64x128xf32>
    %reduce_sum3A_2 = vector.multi_reduction <add>, %reshape3A, %reduce_sum3A [1] : vector<64x392x128xf32> to vector<64x128xf32>
    %mul3A = arith.constant 64 : i32
    %mul3A_3 = arith.muli %arg0, %mul3A : i32
    %swap3A = arith.index_cast %mul3A_3 : i32 to index
    %swap3A_4 = arith.constant 0 : index
    %swap3A_5 = vector.load %arg7[%swap3A, %swap3A_4] : memref<704x128xf32, #tpu.memory_space<vmem>>, vector<64x128xf32>
    tpu.vector_store %arg7[%swap3A, %swap3A_4], %reduce_sum3A_2 {strides = array<i32>} : memref<704x128xf32, #tpu.memory_space<vmem>>, vector<64x128xf32>,
    %eq3A = arith.constant 10 : i32
    %eq3A_6 = arith.cmpi eq, %arg0, %eq3A : i32
    %convert_element_type3A = arith.extui %eq3A_6 : i1 to i32
    %cond3A = arith.constant 0 : i32
    %cond3A_7 = arith.cmpi ne, %convert_element_type3A, %cond3A : i32
    scf.if %cond3A_7 {
      %get3A_8 = arith.constant 0 : index
      %get3A_9 = arith.constant 0 : index
      %get3A_10 = vector.load %arg7[%get3A_8, %get3A_9] : memref<704x128xf32, #tpu.memory_space<vmem>>, vector<704x128xf32>
      %transpose3A = tpu.transpose %get3A_10, [1, 0] : vector<704x128xf32> -> vector<128x704xf32>
      %reduce_sum3A_11 = arith.constant dense<0.000000e+00> : vector<704xf32>
      %reduce_sum3A_12 = vector.multi_reduction <add>, %transpose3A, %reduce_sum3A_11 [0] : vector<128x704xf32> to vector<704xf32>
      %broadcast_in_dim3A = vector.shape_cast %reduce_sum3A_12 : vector<704xf32> to vector<1x704xf32>
      %mul3A_13 = arith.constant 0.498039216 : f32
      %mul3A_14 = vector.broadcast %mul3A_13 : f32 to vector<1x704xf32>
      %mul3A_15 = arith.mulf %broadcast_in_dim3A, %mul3A_14 : vector<1x704xf32>
      %broadcast_in_dim3A_16 = arith.constant 0.000000e+00 : f32
      %broadcast_in_dim3A_17 = vector.broadcast %broadcast_in_dim3A_16 : f32 to vector<1x64xf32>
      %concatenate3A = tpu.concatenate %mul3A_15, %broadcast_in_dim3A_17 in 1 : vector<1x704xf32>, vector<1x64xf32> -> vector<1x768xf32>
      %get3A_18 = arith.constant 0 : index
      %get3A_19 = arith.constant 0 : index
      %get3A_20 = vector.load %arg4[%get3A_18, %get3A_19] : memref<1x768xf32, #tpu.memory_space<vmem>>, vector<1x768xf32>
      %add3A = arith.addf %concatenate3A, %get3A_20 : vector<1x768xf32>
      %get3A_21 = arith.constant 0 : index
      %get3A_22 = arith.constant 0 : index
      %get3A_23 = vector.load %arg1[%get3A_21, %get3A_22] : memref<1x128xi32, #tpu.memory_space<vmem>>, vector<1x128xi32>
      %get3A_24 = arith.constant 0 : index
      %get3A_25 = arith.constant 0 : index
      %get3A_26 = vector.load %arg2[%get3A_24, %get3A_25] : memref<1x128xi32, #tpu.memory_space<vmem>>, vector<1x128xi32>
      %iota3A = tpu.iota {dimensions = array<i32: 0>} : vector<197x1xi32>
      %eq3A_27 = vector.broadcast %get3A_23 : vector<1x128xi32> to vector<197x128xi32>
      %eq3A_28 = vector.broadcast %iota3A : vector<197x1xi32> to vector<197x128xi32>
      %eq3A_29 = arith.cmpi eq, %eq3A_27, %eq3A_28 : vector<197x128xi32>
      %iota3A_30 = tpu.iota {dimensions = array<i32: 1>} : vector<197x128xi32>
      %jit3A = arith.constant -1 : i32
      %broadcast_in_dim3A_31 = vector.broadcast %jit3A : i32 to vector<197x128xi32>
      %select_n3A = arith.select %eq3A_29, %iota3A_30, %broadcast_in_dim3A_31 : vector<197x128xi1>, vector<197x128xi32>
      %reduce_max3A = arith.constant dense<-2147483648> : vector<197xi32>
      %reduce_max3A_32 = vector.multi_reduction <maxsi>, %select_n3A, %reduce_max3A [1] : vector<197x128xi32> to vector<197xi32>
      %broadcast_in_dim3A_33 = vector.shape_cast %reduce_max3A_32 : vector<197xi32> to vector<197x1xi32>
      %eq3A_34 = vector.broadcast %get3A_26 : vector<1x128xi32> to vector<197x128xi32>
      %eq3A_35 = vector.broadcast %iota3A : vector<197x1xi32> to vector<197x128xi32>
      %eq3A_36 = arith.cmpi eq, %eq3A_34, %eq3A_35 : vector<197x128xi32>
      %reduce_or3A = arith.constant 1.000000e+00 : f32
      %reduce_or3A_37 = arith.constant 0.000000e+00 : f32
      %reduce_or3A_38 = vector.broadcast %reduce_or3A : f32 to vector<197x128xf32>
      %reduce_or3A_39 = vector.broadcast %reduce_or3A_37 : f32 to vector<197x128xf32>
      %reduce_or3A_40 = arith.select %eq3A_36, %reduce_or3A_38, %reduce_or3A_39 : vector<197x128xi1>, vector<197x128xf32>
      %reduce_or3A_41 = arith.constant dense<0xFF800000> : vector<197xf32>
      %reduce_or3A_42 = vector.multi_reduction <maximumf>, %reduce_or3A_40, %reduce_or3A_41 [1] : vector<197x128xf32> to vector<197xf32>
      %reduce_or3A_43 = arith.constant 0.000000e+00 : f32
      %reduce_or3A_44 = vector.broadcast %reduce_or3A_43 : f32 to vector<197xf32>
      %reduce_or3A_45 = arith.cmpf ogt, %reduce_or3A_42, %reduce_or3A_44 : vector<197xf32>
      %broadcast_in_dim3A_46 = vector.shape_cast %reduce_or3A_45 : vector<197xi1> to vector<197x1xi1>
      %eq3A_47 = vector.broadcast %broadcast_in_dim3A_33 : vector<197x1xi32> to vector<197x128xi32>
      %eq3A_48 = arith.cmpi eq, %iota3A_30, %eq3A_47 : vector<197x128xi32>
      %and3A = arith.andi %eq3A_29, %eq3A_48 : vector<197x128xi1>
      %not3A = arith.constant dense<true> : vector<197x1xi1>
      %not3A_49 = arith.xori %broadcast_in_dim3A_46, %not3A : vector<197x1xi1>
      %and3A_50 = vector.broadcast %not3A_49 : vector<197x1xi1> to vector<197x128xi1>
      %and3A_51 = arith.andi %and3A, %and3A_50 : vector<197x128xi1>
      %jit3A_52 = arith.constant 1.000000e+00 : f32
      %jit3A_53 = arith.constant 0.000000e+00 : f32
      %broadcast_in_dim3A_54 = vector.broadcast %jit3A_52 : f32 to vector<197x128xf32>
      %broadcast_in_dim3A_55 = vector.broadcast %jit3A_53 : f32 to vector<197x128xf32>
      %select_n3A_56 = arith.select %and3A_51, %broadcast_in_dim3A_54, %broadcast_in_dim3A_55 : vector<197x128xi1>, vector<197x128xf32>
      %convert_element_type3A_57 = arith.extui %broadcast_in_dim3A_46 : vector<197x1xi1> to vector<197x1xi32>
      %convert_element_type3A_58 = arith.sitofp %convert_element_type3A_57 : vector<197x1xi32> to vector<197x1xf32>
      %mul3A_59 = vector.broadcast %convert_element_type3A_58 : vector<197x1xf32> to vector<197x768xf32>
      %mul3A_60 = vector.broadcast %add3A : vector<1x768xf32> to vector<197x768xf32>
      %mul3A_61 = arith.mulf %mul3A_59, %mul3A_60 : vector<197x768xf32>
      %get3A_62 = arith.constant 0 : index
      %get3A_63 = arith.constant 0 : index
      %get3A_64 = arith.constant 0 : index
      %get3A_65 = vector.load %arg3[%get3A_62, %get3A_63, %get3A_64] : memref<4x128x768xf32, #tpu.memory_space<vmem>>, vector<1x128x768xf32>
      %get3A_66 = vector.shape_cast %get3A_65 : vector<1x128x768xf32> to vector<128x768xf32>
      %dot_general3A = arith.constant dense<0.000000e+00> : vector<197x768xf32>
      %dot_general3A_67 = tpu.matmul %select_n3A_56, %get3A_66, %dot_general3A {dimension_numbers = #tpu.dot_dimension_numbers<[1], [0], [0], [1], [0, 0, 1, 1], [], []>, transpose_lhs_hint = false} : vector<197x128xf32>, vector<128x768xf32>, vector<197x768xf32> -> vector<197x768xf32>
      %add3A_68 = arith.addf %dot_general3A_67, %mul3A_61 : vector<197x768xf32>
      %swap3A_69 = arith.constant 0 : index
      %swap3A_70 = arith.constant 0 : index
      %swap3A_71 = arith.constant 0 : index
      %swap3A_72 = vector.load %arg6[%swap3A_69, %swap3A_70, %swap3A_71] : memref<4x197x768xf32, #tpu.memory_space<vmem>>, vector<1x197x768xf32>
      %swap3A_73 = vector.shape_cast %swap3A_72 : vector<1x197x768xf32> to vector<197x768xf32>
      %swap3A_74 = vector.shape_cast %add3A_68 : vector<197x768xf32> to vector<1x197x768xf32>
      tpu.vector_store %arg6[%swap3A_69, %swap3A_70, %swap3A_71], %swap3A_74 {strides = array<i32>} : memref<4x197x768xf32, #tpu.memory_space<vmem>>, vector<1x197x768xf32>,
      %get3A_75 = arith.constant 1 : index
      %get3A_76 = arith.constant 0 : index
      %get3A_77 = arith.constant 0 : index
      %get3A_78 = vector.load %arg3[%get3A_75, %get3A_76, %get3A_77] : memref<4x128x768xf32, #tpu.memory_space<vmem>>, vector<1x128x768xf32>
      %get3A_79 = vector.shape_cast %get3A_78 : vector<1x128x768xf32> to vector<128x768xf32>
      %dot_general3A_80 = arith.constant dense<0.000000e+00> : vector<197x768xf32>
      %dot_general3A_81 = tpu.matmul %select_n3A_56, %get3A_79, %dot_general3A_80 {dimension_numbers = #tpu.dot_dimension_numbers<[1], [0], [0], [1], [0, 0, 1, 1], [], []>, transpose_lhs_hint = false} : vector<197x128xf32>, vector<128x768xf32>, vector<197x768xf32> -> vector<197x768xf32>
      %add3A_82 = arith.addf %dot_general3A_81, %mul3A_61 : vector<197x768xf32>
      %swap3A_83 = arith.constant 1 : index
      %swap3A_84 = arith.constant 0 : index
      %swap3A_85 = arith.constant 0 : index
      %swap3A_86 = vector.load %arg6[%swap3A_83, %swap3A_84, %swap3A_85] : memref<4x197x768xf32, #tpu.memory_space<vmem>>, vector<1x197x768xf32>
      %swap3A_87 = vector.shape_cast %swap3A_86 : vector<1x197x768xf32> to vector<197x768xf32>
      %swap3A_88 = vector.shape_cast %add3A_82 : vector<197x768xf32> to vector<1x197x768xf32>
      tpu.vector_store %arg6[%swap3A_83, %swap3A_84, %swap3A_85], %swap3A_88 {strides = array<i32>} : memref<4x197x768xf32, #tpu.memory_space<vmem>>, vector<1x197x768xf32>,
      %get3A_89 = arith.constant 2 : index
      %get3A_90 = arith.constant 0 : index
      %get3A_91 = arith.constant 0 : index
      %get3A_92 = vector.load %arg3[%get3A_89, %get3A_90, %get3A_91] : memref<4x128x768xf32, #tpu.memory_space<vmem>>, vector<1x128x768xf32>
      %get3A_93 = vector.shape_cast %get3A_92 : vector<1x128x768xf32> to vector<128x768xf32>
      %dot_general3A_94 = arith.constant dense<0.000000e+00> : vector<197x768xf32>
      %dot_general3A_95 = tpu.matmul %select_n3A_56, %get3A_93, %dot_general3A_94 {dimension_numbers = #tpu.dot_dimension_numbers<[1], [0], [0], [1], [0, 0, 1, 1], [], []>, transpose_lhs_hint = false} : vector<197x128xf32>, vector<128x768xf32>, vector<197x768xf32> -> vector<197x768xf32>
      %add3A_96 = arith.addf %dot_general3A_95, %mul3A_61 : vector<197x768xf32>
      %swap3A_97 = arith.constant 2 : index
      %swap3A_98 = arith.constant 0 : index
      %swap3A_99 = arith.constant 0 : index
      %swap3A_100 = vector.load %arg6[%swap3A_97, %swap3A_98, %swap3A_99] : memref<4x197x768xf32, #tpu.memory_space<vmem>>, vector<1x197x768xf32>
      %swap3A_101 = vector.shape_cast %swap3A_100 : vector<1x197x768xf32> to vector<197x768xf32>
      %swap3A_102 = vector.shape_cast %add3A_96 : vector<197x768xf32> to vector<1x197x768xf32>
      tpu.vector_store %arg6[%swap3A_97, %swap3A_98, %swap3A_99], %swap3A_102 {strides = array<i32>} : memref<4x197x768xf32, #tpu.memory_space<vmem>>, vector<1x197x768xf32>,
      %get3A_103 = arith.constant 3 : index
      %get3A_104 = arith.constant 0 : index
      %get3A_105 = arith.constant 0 : index
      %get3A_106 = vector.load %arg3[%get3A_103, %get3A_104, %get3A_105] : memref<4x128x768xf32, #tpu.memory_space<vmem>>, vector<1x128x768xf32>
      %get3A_107 = vector.shape_cast %get3A_106 : vector<1x128x768xf32> to vector<128x768xf32>
      %dot_general3A_108 = arith.constant dense<0.000000e+00> : vector<197x768xf32>
      %dot_general3A_109 = tpu.matmul %select_n3A_56, %get3A_107, %dot_general3A_108 {dimension_numbers = #tpu.dot_dimension_numbers<[1], [0], [0], [1], [0, 0, 1, 1], [], []>, transpose_lhs_hint = false} : vector<197x128xf32>, vector<128x768xf32>, vector<197x768xf32> -> vector<197x768xf32>
      %add3A_110 = arith.addf %dot_general3A_109, %mul3A_61 : vector<197x768xf32>
      %swap3A_111 = arith.constant 3 : index
      %swap3A_112 = arith.constant 0 : index
      %swap3A_113 = arith.constant 0 : index
      %swap3A_114 = vector.load %arg6[%swap3A_111, %swap3A_112, %swap3A_113] : memref<4x197x768xf32, #tpu.memory_space<vmem>>, vector<1x197x768xf32>
      %swap3A_115 = vector.shape_cast %swap3A_114 : vector<1x197x768xf32> to vector<197x768xf32>
      %swap3A_116 = vector.shape_cast %add3A_110 : vector<197x768xf32> to vector<1x197x768xf32>
      tpu.vector_store %arg6[%swap3A_111, %swap3A_112, %swap3A_113], %swap3A_116 {strides = array<i32>} : memref<4x197x768xf32, #tpu.memory_space<vmem>>, vector<1x197x768xf32>,
    } else {
    }
    return
  }
  func.func @transform_0(%arg0: i32) -> (i32, i32) {
    %c0_i32 = arith.constant 0 : i32
    %c0_i32_0 = arith.constant 0 : i32
    %c0_i32_1 = arith.constant 0 : i32
    return %c0_i32, %c0_i32_0 : i32, i32
  }
  func.func @transform_1(%arg0: i32) -> (i32, i32) {
    %c0_i32 = arith.constant 0 : i32
    %c0_i32_0 = arith.constant 0 : i32
    %c0_i32_1 = arith.constant 0 : i32
    return %c0_i32, %c0_i32_0 : i32, i32
  }
  func.func @transform_2(%arg0: i32) -> (i32, i32, i32) {
    %c0_i32 = arith.constant 0 : i32
    %c0_i32_0 = arith.constant 0 : i32
    %c0_i32_1 = arith.constant 0 : i32
    %c0_i32_2 = arith.constant 0 : i32
    return %c0_i32, %c0_i32_0, %c0_i32_1 : i32, i32, i32
  }
  func.func @transform_3(%arg0: i32) -> (i32, i32) {
    %c0_i32 = arith.constant 0 : i32
    %c0_i32_0 = arith.constant 0 : i32
    %c0_i32_1 = arith.constant 0 : i32
    return %c0_i32, %c0_i32_0 : i32, i32
  }
  func.func @transform_4(%arg0: i32) -> (i32, i32) {
    %c0_i32 = arith.constant 0 : i32
    %c0_i32_0 = arith.constant 0 : i32
    return %arg0, %c0_i32 : i32, i32
  }
  func.func @transform_5(%arg0: i32) -> (i32, i32, i32) {
    %c0_i32 = arith.constant 0 : i32
    %c0_i32_0 = arith.constant 0 : i32
    %c0_i32_1 = arith.constant 0 : i32
    %c0_i32_2 = arith.constant 0 : i32
    return %c0_i32, %c0_i32_0, %c0_i32_1 : i32, i32, i32
  }
}

</mosaic_0001>

<sc_bundles>
// kernel: kernel.5.cloned.1.call-start
scs
__scs_entry_jumppad:
0x0: {  	(pc) =	sbr.rel $0x88, $3  }
0x1: {  	(tag) =	ssettag $0x0;
	lr =	simm.s32 $0x1  }
0x2: {  	[smem:$0x3F9C] =	sst lr;
	_ =	strace $0xD0000000  }
0x3: {  	_ = 	snop  }
0x4: {  	_ = 	snop  }
0x5: {  	_ = 	snop  }
0x6: {  	_ = 	snop  }
0x7: {  	_ = 	snop  }
__scs_overlays_trampoline_lowered:
0x8: {  	[smem:$0x3FAB] =	sst s0  }
0x9: {  	[smem:$0x3FAC] =	sst s1  }
0xa: {  	[smem:$0x3FAD] =	sst s2  }
0xb: {  	[smem:$0x3FAE] =	sst s3  }
0xc: {  	[smem:$0x3FAF] =	sst s4  }
0xd: {  	[smem:$0x3FB0] =	sst s5  }
0xe: {  	[smem:$0x3FB1] =	sst s6  }
0xf: {  	[smem:$0x3FB2] =	sst s7  }
0x10: {  	[smem:$0x3FB3] =	sst s8  }
0x11: {  	[smem:$0x3FB4] =	sst s9;
	s0 =	simm.s32 @!p0 $0x0  }
0x12: {  	s1 =	sld [smem:$0x3F9A];
	s0 =	simm.s32 @p0 $0x1  }
0x13: {  	[smem:$0x3FB5] =	sst s0;
	s0 =	simm.s32 @!p1 $0x0  }
0x14: {  	s2 =	sld [smem:$0x3F99];
	s0 =	simm.s32 @p1 $0x1  }
0x15: {  	[smem:$0x3FB6] =	sst s0;
	s0 =	simm.s32 @!p2 $0x0  }
0x16: {  	s3 =	sld [smem:$0x3FDB];
	s0 =	simm.s32 @p2 $0x1  }
0x17: {  	s4 =	simm.s32 $0x1BF5;
	[smem:$0x3FB8] =	sst s0  }
0x18: {  	s0 =	sld [smem:$0x3F9B];
	_ =	swait.ge [sflag:s4], $0x0  }
0x19: {  	s7 =	sld [smem:$0x3F9C]  }
0x1a: {  	s8 =	sadd.s32 $0xFFFFE003, lr  }
0x1b: {  	s9 =	sadd.s32 $0xFFFFFEF7, lr;
	s5 =	simm.s32 $0xFFFFFFFF;
	p2 =	slt.u32 s8, $0xFFFFF086  }
0x1c: {  	p1 =	slt.u32 s9, $0xF7A;
	s5 =	simm.s32 @!p2 $0x0  }
0x1d: {  	s5 =	simm.s32 @p1 $0x1;
	p0 =	seq.s32 s7, s2  }
0x1e: {  	s7 =	smul.u32 @!p0 $0xF7A, s2;
	p2 =	seq.s32 @!p0 s5, $0x0  }
0x1f: {  	s9 =	smul.u32 $0xF7A, s1;
	s8 =	simm.s32 @!p0 $0x1BF5;
	p2 =	por !p2, p0  }
0x20: {  	[sflag:s8] =	ssyncset.s32 @!p0 $0xFFFFF086;
	s6 =	sadd.s32 @!p0 s3, s7;
	s7 =	simm.s32 @!p0 $0x108  }
0x21: {  	s3 =	sadd.s32 s3, s9;
	s6 =	sadd.s32 @!p0 $0x88, s6;
	s7 =	simm.s32 @p2 $0x1082  }
0x22: {  	[simem:s7], [sflag:s8] =	dma.local @!p0 [hbm:s6], $0xF7A  }
0x23: {  	s9 =	sor.u32 $0xD0000000, s2;
	s6 =	simm.s32 $0x108;
	_ =	swait.ge @!p0 [sflag:s8], $0x0  }
0x24: {  	s3 =	sadd.s32 $0x88, s3;
	s6 =	simm.s32 @!p1 $0x1082;
	[sflag:s4] =	ssyncset.s32 $0xFFFFF086  }
0x25: {  	[simem:s6], [sflag:s4] =	dma.local [hbm:s3], $0xF7A  }
0x26: {  	[smem:$0x3F9C] =	sst s1;
	(tag) =	ssettag s2;
	_ =	strace s9  }
0x27: {  	s1 =	sld [smem:$0x3FAC]  }
0x28: {  	s2 =	sld [smem:$0x3FAD]  }
0x29: {  	s4 =	sld [smem:$0x3FAF]  }
0x2a: {  	p0 =	seq.s32 s5, $0x0;
	s5 =	sld [smem:$0x3FB0]  }
0x2b: {  	s6 =	sld [smem:$0x3FB1]  }
0x2c: {  	s7 =	sld [smem:$0x3FB2]  }
0x2d: {  	s3 =	simm.s32 $0x108;
	s8 =	sld [smem:$0x3FB3]  }
0x2e: {  	s3 =	simm.s32 @!p0 $0x1082;
	s9 =	sld [smem:$0x3FB4]  }
0x2f: {  	lr =	sadd.s32 s0, s3;
	s0 =	sld [smem:$0x3FAB]  }
0x30: {  	s3 =	sld [smem:$0x3FAE]  }
0x31: {  	[smem:$0x3FB7] =	sst s10  }
0x32: {  	s10 =	sld [smem:$0x3FB5];
	_ =	sdelay $0x3  }
0x33: {  	p0 =	seq.s32 s10, $0x1;
	s10 =	sld [smem:$0x3FB7];
	_ =	sdelay $0x3  }
0x34: {  	[smem:$0x3FB7] =	sst s10  }
0x35: {  	s10 =	sld [smem:$0x3FB6];
	_ =	sdelay $0x3  }
0x36: {  	p1 =	seq.s32 s10, $0x1;
	s10 =	sld [smem:$0x3FB7];
	_ =	sdelay $0x3  }
0x37: {  	[smem:$0x3FB7] =	sst s10  }
0x38: {  	s10 =	sld [smem:$0x3FB8]  }
0x39: {  	_ = 	snop;
	(pc) =	sbr.ind lr, $3  }
0x3a: {  	_ = 	snop  }
0x3b: {  	_ = 	snop  }
0x3c: {  	p2 =	seq.s32 s10, $0x1;
	s10 =	sld [smem:$0x3FB7]  }
0x3d: {  	_ =	shalt  }
0x3e: {  	_ =	shalt  }
0x3f: {  	_ =	shalt  }
0x40: {  	_ =	shalt  }
0x41: {  	_ =	shalt  }
0x42: {  	_ =	shalt  }
0x43: {  	_ =	shalt  }
0x44: {  	_ =	shalt  }
0x45: {  	_ =	shalt  }
0x46: {  	_ =	shalt  }
0x47: {  	_ =	shalt  }
0x48: {  	_ =	shalt  }
0x49: {  	_ =	shalt  }
0x4a: {  	_ =	shalt  }
0x4b: {  	_ =	shalt  }
0x4c: {  	_ =	shalt  }
0x4d: {  	_ =	shalt  }
0x4e: {  	_ =	shalt  }
0x4f: {  	_ =	shalt  }
0x50: {  	_ =	shalt  }
0x51: {  	_ =	shalt  }
0x52: {  	_ =	shalt  }
0x53: {  	_ =	shalt  }
0x54: {  	_ =	shalt  }
0x55: {  	_ =	shalt  }
0x56: {  	_ =	shalt  }
0x57: {  	_ =	shalt  }
0x58: {  	_ =	shalt  }
0x59: {  	_ =	shalt  }
0x5a: {  	_ =	shalt  }
0x5b: {  	_ =	shalt  }
0x5c: {  	_ =	shalt  }
0x5d: {  	_ =	shalt  }
0x5e: {  	_ =	shalt  }
0x5f: {  	_ =	shalt  }
0x60: {  	_ =	shalt  }
0x61: {  	_ =	shalt  }
0x62: {  	_ =	shalt  }
0x63: {  	_ =	shalt  }
0x64: {  	_ =	shalt  }
0x65: {  	_ =	shalt  }
0x66: {  	_ =	shalt  }
0x67: {  	_ =	shalt  }
0x68: {  	_ =	shalt  }
0x69: {  	_ =	shalt  }
0x6a: {  	_ =	shalt  }
0x6b: {  	_ =	shalt  }
0x6c: {  	_ =	shalt  }
0x6d: {  	_ =	shalt  }
0x6e: {  	_ =	shalt  }
0x6f: {  	_ =	shalt  }
0x70: {  	_ =	shalt  }
0x71: {  	_ =	shalt  }
0x72: {  	_ =	shalt  }
0x73: {  	_ =	shalt  }
0x74: {  	_ =	shalt  }
0x75: {  	_ =	shalt  }
0x76: {  	_ =	shalt  }
0x77: {  	_ =	shalt  }
0x78: {  	_ =	shalt  }
0x79: {  	_ =	shalt  }
0x7a: {  	_ =	shalt  }
0x7b: {  	_ =	shalt  }
0x7c: {  	_ =	shalt  }
0x7d: {  	_ =	shalt  }
0x7e: {  	_ =	shalt  }
0x7f: {  	_ =	shalt  }
0x80: {  	_ =	shalt  }
0x81: {  	_ =	shalt  }
0x82: {  	_ =	shalt  }
0x83: {  	_ =	shalt  }
0x84: {  	_ =	shalt  }
0x85: {  	_ =	shalt  }
0x86: {  	_ =	shalt  }
0x87: {  	_ =	shalt  }
.Lfunc_end0:
.L_simem_size_0:
called_computation_lowered:
.L_overlay_start_0:
0x88: {  	s2 =	sld [smem:$0x3FD9]  }
0x89: {  	s3 =	sld [smem:$0x3FFE];
	_ =	sdelay $0x1  }
0x8a: {  	s1 =	srdreg.scid  }
0x8b: {  	s0 =	sand.u32 $0x1, s1  }
0x8c: {  	s18 =	sshll.u32 s0, $0xA;
	s2 =	sadd.s32 s3, s2  }
0x8d: {  	s2 =	sadd.s32 s2, s18  }
0x8e: {  	[smem:$0x3FC3] =	sst s2  }
0x8f: {  	_ = 	snop  }
0x90: {  	s2 =	sld [smem:$0x3FC6]  }
0x91: {  	s19 =	sld [smem:$0x3FD0];
	(tm) =	ssettm $0x1  }
0x92: {  	s4 =	sld [smem:$0x3FFB];
	_ =	sdelay $0x3  }
0x93: {  	_ =	strace s4  }
0x94: {  	s4 =	sld [smem:$0x3FFC];
	_ =	sdelay $0x3  }
0x95: {  	_ =	strace s4  }
0x96: {  	s4 =	sld [smem:$0x3FFD];
	_ =	sdelay $0x3  }
0x97: {  	_ =	strace s4  }
0x98: {  	_ =	strace $0x8FFFFFFF  }
0x99: {  	s20 =	sld [smem:$0x3FDB];
	_ =	sdelay $0x1  }
0x9a: {  	s5 =	simm.s32 $_scs_section_size  }
0x9b: {  	s6 =	simm.s32 $_size__tile_overlayer_lowered;
	s7 =	simm.s32 $_tile_overlayer_lowered  }
0x9c: {  	s23 =	simm.s32 $0x1BFF;
	s22 =	sshll.u32 s7, $0x1;
	s4 =	sadd.s32 s5, s20  }
0x9d: {  	s8 =	simm.s32 $0x0;
	s21 =	sshll.u32 s6, $0x1;
	s6 =	sadd.s32 s22, s4  }
0x9e: {  	[timem:s8], [sflag:s23] =	dma.local [hbm:s6], s21  }
0x9f: {  	_ =	swait.ge [sflag:s23], s21  }
0xa0: {  	s5 =	ssub.s32 $0x0, s21;
	[sflag:s23] =	ssyncset.done $0x0  }
0xa1: {  	[sflag:s23] =	ssyncadd.s32 s5;
	_ =	sdelay $0x1  }
0xa2: {  	s24 =	simm.s32 $0x1B8B  }
0xa3: {  	_ =	swait.ge [sflag:s24], $0x1  }
0xa4: {  	[sflag:s24] =	ssyncset.done $0x0  }
0xa5: {  	s25 =	simm.s32 $0x1B8E;
	[sflag:s24] =	ssyncadd.s32 $0xFFFFFFFF  }
0xa6: {  	s26 =	simm.s32 $execute0_lowered;
	[smem:$0x3FD2] =	sst s25  }
0xa7: {  	s5 =	sshll.u32 s26, $0x1;
	_ =	strace $0x80000046;
	[dreg:$0x1] =	wrdreg $0xFFFFFFFF  }
0xa8: {  	s28 =	simm.s32 $_size_execute0_lowered;
	s4 =	sadd.s32 s4, s5;
	[dreg:$0x0] =	wrdreg $0x0  }
0xa9: {  	s5 =	sshll.u32 s28, $0x1;
	[dreg:$0x2] =	wrdreg s4  }
0xaa: {  	[dreg:$0x3] =	wrdreg s5  }
0xab: {  	[dreg:$0x4] =	wrdreg $0xC0  }
0xac: {  	_ =	task [dreg:s8], $0x5FFFF  }
0xad: {  	[dreg:$0x1] =	wrdreg $0xFFFFFFFF  }
0xae: {  	[dreg:$0x0] =	wrdreg $0x60  }
0xaf: {  	[dreg:$0x2] =	wrdreg s2  }
0xb0: {  	[dreg:$0x3] =	wrdreg s19  }
0xb1: {  	[dreg:$0x4] =	wrdreg $0x9  }
0xb2: {  	_ =	task.clear_ibuf [dreg:s8], $0x5FFFF;
	_ =	strace $0x90000046  }
0xb3: {  	s29 =	simm.s32 $0x9;
	_ =	strace $0x80000048  }
0xb4: {  	_ =	swait.ge [sflag:s29], $0x1  }
0xb5: {  	[sflag:s29] =	ssyncadd.s32 $0xFFFFFFFF  }
0xb6: {  	_ =	strace $0x90000048  }
0xb7: {  	_ =	sfence  }
0xb8: {  	s30 =	sld [smem:$0x0];
	_ =	sdelay $0x2  }
0xb9: {  	s31 =	sshll.u32 s1, $0xD;
	s1 =	sshrl.u32 s1, $0x2  }
0xba: {  	s3 =	sand.u32 $0x4000, s31;
	s1 =	sadd.s32 s1, s30  }
0xbb: {  	s0 =	sor.u32 s3, s0;
	s1 =	sshll.u32 s1, $0x11  }
0xbc: {  	s0 =	sor.u32 s1, s0  }
0xbd: {  	s0 =	sadd.s32 $0x8F2B, s0  }
0xbe: {  	[sflag:s0] =	ssyncadd.remote.s32 $0x1  }
0xbf: {  	_ =	sfence.sel $0xFFFF  }
0xc0: {  	[dreg:$0x0] =	wrdreg $0xFFFFFFFF;
	(pc) =	sbr.abs _section_cstart, $3  }
0xc1: {  	[dreg:$0x1] =	wrdreg $0xFFFFFFFF  }
0xc2: {  	_ =	task.clear_ibuf [dreg:s8], $0x2FFFF;
	_ =	strace $0x9FFFFFFF  }
0xc3: {  	(tm) =	ssettm $0x7FFFFFFF  }
tec
execute0_lowered:
.L_overlay_start_1:
0x0: {  	(tag) =	ssettag $0x1  }
0x1: {  	s4 =	rddreg [dreg:$0x0]  }
0x2: {  	s5 =	rddreg [dreg:$0x1]  }
0x3: {  	s0 =	rddreg [dreg:$0x2]  }
0x4: {  	s3 =	srdreg.scid;
	s1 =	stileid.u32;
	s2 =	simm.s32 $0x0  }
0x5: {  	s12 =	simm.s32 $0x18800;
	s13 =	simm.s32 $0x3;
	s14 =	simm.s32 $0x0  }
0x6: {  	s3 =	sand.u32 $0x1, s3;
	s6 =	sshll.u32 s1, $0x1;
	[smem:$0x7FF] =	sst s2  }
0x7: {  	s8 =	sshrl.u32 s1, $0x1;
	s6 =	sor.u32 s3, s6;
	_ =	strace $0x80000047  }
0x8: {  	s3 =	ssub.s32 $0x2, s3;
	s8 =	smul.u32 $0x62000, s8;
	s7 =	sshll.u32 s6, $0x1  }
0x9: {  	s9 =	sshll.u32 s6, $0x8;
	s11 =	sshrl.u32 s3, $0x1;
	s6 =	sshll.u32 s6, $0x5  }
0xa: {  	s7 =	sor.u32 $0x2C1, s7;
	s9 =	sand.u32 $0x300, s9;
	s30 =	ssub.s32 s3, s11  }
0xb: {  	s5 =	sadd.s32 s5, s6;
	s11 =	simm.s32 $0x2;
	s10 =	sshrl.u32 s7, $0x3  }
0xc: {  	s7 =	sshll.u32 s7, $0x7;
	s8 =	sor.u32 s9, s8;
	s10 =	smul.u32 $0x62000, s10  }
0xd: {  	s6 =	smax.u32 s30, $0x1;
	s7 =	sand.u32 $0x380, s7;
	s31 =	sadd.s32 $0x21B0000, s8  }
0xe: {  	s9 =	simm.s32 $0xC400;
	s3 =	sshrl.u32 s31, $0x3;
	s7 =	sor.u32 s7, s10  }
0xf: {  	s8 =	simm.s32 $0x400;
	s3 =	sadd.s32 s4, s3;
	s7 =	sshrl.u32 s7, $0x3  }
0x10: {  	s10 =	simm.s32 $0x1;
	s4 =	sadd.s32 s4, s7;
	s7 =	simm.s32 $0x80  }
.LBB2_1:
0x11: {  	[tilespmem:s2], [sflag:$0x1] =	stream.strided.gather [hbm4b:s3+s7], $0xC400, s8, s7, $0x38;
	[tilespmem:$0x18900] =	vst v63  }
0x12: {  	_ = 	snop  }
0x13: {  	[tilespmem:s9], [sflag:$0x2] =	stream.strided.gather [hbm4b:s4+s7], $0xC400, s8, s7, $0x38;
	[tilespmem:$0x18900] =	vst v63  }
0x14: {  	_ =	swait.ge [sflag:s10], $0xC400  }
0x15: {  	[sflag:s10] =	ssyncset.done $0x0  }
0x16: {  	s17 =	simm.s32 $0x0;
	[sflag:s10] =	ssyncadd.s32 $0xFFFF3C00  }
0x17: {  	v0 =	vld [tilespmem:s17+$0xF0]  }
0x18: {  	v1 =	vld [tilespmem:s17+$0x0]  }
0x19: {  	v3 =	vld [tilespmem:s17+$0x10]  }
0x1a: {  	v4 =	vld [tilespmem:s17+$0x20]  }
0x1b: {  	v5 =	vld [tilespmem:s17+$0x30]  }
0x1c: {  	v6 =	vld [tilespmem:s17+$0x40]  }
0x1d: {  	v7 =	vld [tilespmem:s17+$0x50]  }
0x1e: {  	v9 =	vld [tilespmem:s17+$0x60]  }
0x1f: {  	v10 =	vld [tilespmem:s17+$0x70]  }
0x20: {  	v11 =	vimm.f32 $0.0e+00;
	v12 =	vld [tilespmem:s17+$0x80]  }
0x21: {  	v13 =	vld [tilespmem:s17+$0x90];
	v2 =	vadd.f32 v0, v11;
	v8 =	vadd.f32 v1, v11  }
0x22: {  	v16 =	vld [tilespmem:s17+$0xA0];
	v3 =	vadd.f32 v3, v11;
	v4 =	vadd.f32 v4, v11  }
0x23: {  	v17 =	vld [tilespmem:s17+$0xB0];
	v0 =	vadd.f32 v5, v11;
	v5 =	vadd.f32 v6, v11  }
0x24: {  	v15 =	vimm.f32 $0.0e+00;
	v18 =	vld [tilespmem:s17+$0xC0];
	v1 =	vadd.f32 v7, v11;
	v6 =	vadd.f32 v9, v11  }
0x25: {  	v14 =	vimm.f32 $0.0e+00;
	v19 =	vld [tilespmem:s17+$0xD0];
	v7 =	vadd.f32 v10, v11;
	v9 =	vadd.f32 v12, v11  }
0x26: {  	s15 =	simm.s32 $0x100;
	s16 =	simm.s32 $0x800;
	v20 =	vld [tilespmem:s17+$0xE0];
	v10 =	vadd.f32 v13, v11;
	v12 =	vimm.f32 $0.0e+00;
	v13 =	vimm.f32 $0.0e+00  }
.LBB2_2:
0x27: {  	p0 =	sne.s32 s16, $0x30C00;
	v21 =	vld [tilespmem:s15+$0xF0];
	v11 =	vadd.f32 v16, v11  }
0x28: {  	v16 =	vld [tilespmem:s15+$0x0];
	v12 =	vadd.f32 v17, v12  }
0x29: {  	v17 =	vld [tilespmem:s15+$0x10];
	v15 =	vadd.f32 v18, v15  }
0x2a: {  	v18 =	vld [tilespmem:s15+$0x20];
	v13 =	vadd.f32 v19, v13  }
0x2b: {  	v19 =	vld [tilespmem:s15+$0x30];
	v14 =	vadd.f32 v20, v14  }
0x2c: {  	v20 =	vld [tilespmem:s15+$0x40];
	v2 =	vadd.f32 v21, v2  }
0x2d: {  	v8 =	vadd.f32 v16, v8;
	v16 =	vld [tilespmem:s15+$0x50]  }
0x2e: {  	v3 =	vadd.f32 v17, v3;
	v17 =	vld [tilespmem:s15+$0x60]  }
0x2f: {  	v4 =	vadd.f32 v18, v4;
	v18 =	vld [tilespmem:s15+$0x70]  }
0x30: {  	v0 =	vadd.f32 v19, v0;
	v19 =	vld [tilespmem:s15+$0x80]  }
0x31: {  	v5 =	vadd.f32 v20, v5;
	v20 =	vld [tilespmem:s15+$0x90]  }
.Ltmp0:
0x32: {  	v1 =	vadd.f32 v16, v1;
	v16 =	vld [tilespmem:s15+$0xA0];
	(pc) =	sbr.rel @p0 .LBB2_2-.Ltmp0, $4  }
0x33: {  	v6 =	vadd.f32 v17, v6;
	v17 =	vld [tilespmem:s15+$0xB0]  }
0x34: {  	v7 =	vadd.f32 v18, v7;
	v18 =	vld [tilespmem:s15+$0xC0]  }
0x35: {  	v9 =	vadd.f32 v19, v9;
	v19 =	vld [tilespmem:s15+$0xD0]  }
0x36: {  	v10 =	vadd.f32 v20, v10;
	v20 =	vld [tilespmem:s15+$0xE0];
	s15 =	sshra.s32 s16, $0x2;
	s16 =	sadd.s32 $0x400, s16  }
0x37: {  	v21 =	vld [tilespmem:s15+$0xF0]  }
0x38: {  	v22 =	vld [tilespmem:s15+$0x0]  }
0x39: {  	v23 =	vld [tilespmem:s15+$0x10]  }
0x3a: {  	v24 =	vld [tilespmem:s15+$0x20]  }
0x3b: {  	v25 =	vld [tilespmem:s15+$0x30]  }
0x3c: {  	v26 =	vld [tilespmem:s15+$0x40]  }
0x3d: {  	v27 =	vld [tilespmem:s15+$0x50]  }
0x3e: {  	v28 =	vld [tilespmem:s15+$0x60]  }
0x3f: {  	v29 =	vld [tilespmem:s15+$0x70];
	v11 =	vadd.f32 v16, v11  }
0x40: {  	v30 =	vld [tilespmem:s15+$0x80];
	v12 =	vadd.f32 v17, v12;
	v15 =	vadd.f32 v18, v15  }
0x41: {  	v16 =	vld [tilespmem:s15+$0x90];
	v13 =	vadd.f32 v19, v13;
	v14 =	vadd.f32 v20, v14  }
0x42: {  	v17 =	vld [tilespmem:s15+$0xA0];
	v2 =	vadd.f32 v21, v2;
	v8 =	vadd.f32 v22, v8  }
0x43: {  	v18 =	vld [tilespmem:s15+$0xB0];
	v3 =	vadd.f32 v23, v3;
	v4 =	vadd.f32 v24, v4  }
0x44: {  	v19 =	vld [tilespmem:s15+$0xC0];
	v0 =	vadd.f32 v25, v0;
	v5 =	vadd.f32 v26, v5  }
0x45: {  	v20 =	vld [tilespmem:s15+$0xD0];
	v1 =	vadd.f32 v27, v1;
	v6 =	vadd.f32 v28, v6  }
0x46: {  	v21 =	vld [tilespmem:s15+$0xE0];
	v7 =	vadd.f32 v29, v7;
	v9 =	vadd.f32 v30, v9  }
0x47: {  	v10 =	vadd.f32 v16, v10;
	v11 =	vadd.f32 v17, v11  }
0x48: {  	v12 =	vadd.f32 v18, v12;
	v3 =	vadd.f32 v3, v8  }
0x49: {  	v0 =	vadd.f32 v0, v4;
	v1 =	vadd.f32 v1, v5  }
0x4a: {  	v4 =	vadd.f32 v7, v6;
	v15 =	vadd.f32 v19, v15  }
0x4b: {  	v13 =	vadd.f32 v20, v13;
	v14 =	vadd.f32 v21, v14  }
0x4c: {  	v5 =	vadd.f32 v10, v9;
	v6 =	vadd.f32 v12, v11  }
0x4d: {  	v7 =	vadd.f32 v13, v15;
	v2 =	vadd.f32 v2, v14  }
0x4e: {  	v0 =	vadd.f32 v0, v3;
	v1 =	vadd.f32 v4, v1  }
0x4f: {  	v3 =	vadd.f32 v6, v5;
	v2 =	vadd.f32 v2, v7;
	_ =	sdelay $0x1  }
0x50: {  	v0 =	vadd.f32 v1, v0;
	v1 =	vadd.f32 v2, v3;
	_ =	sdelay $0x1  }
0x51: {  	v0 =	vadd.f32 v1, v0;
	_ =	sdelay $0x1  }
0x52: {  	[tilespmem:$0x18800] =	vst v0  }
0x53: {  	_ =	swait.ge [sflag:s11], $0xC400  }
0x54: {  	[sflag:s11] =	ssyncset.done $0x0  }
0x55: {  	s17 =	simm.s32 $0x0;
	[sflag:s11] =	ssyncadd.s32 $0xFFFF3C00  }
0x56: {  	v0 =	vld [tilespmem:s17+$0xC4F0]  }
0x57: {  	v1 =	vld [tilespmem:s17+$0xC400]  }
0x58: {  	v3 =	vld [tilespmem:s17+$0xC410]  }
0x59: {  	v4 =	vld [tilespmem:s17+$0xC420]  }
0x5a: {  	v5 =	vld [tilespmem:s17+$0xC430]  }
0x5b: {  	v6 =	vld [tilespmem:s17+$0xC440]  }
0x5c: {  	v7 =	vld [tilespmem:s17+$0xC450]  }
0x5d: {  	v9 =	vld [tilespmem:s17+$0xC460]  }
0x5e: {  	v10 =	vld [tilespmem:s17+$0xC470]  }
0x5f: {  	v11 =	vimm.f32 $0.0e+00;
	v12 =	vld [tilespmem:s17+$0xC480]  }
0x60: {  	v13 =	vld [tilespmem:s17+$0xC490];
	v2 =	vadd.f32 v0, v11;
	v8 =	vadd.f32 v1, v11  }
0x61: {  	v16 =	vld [tilespmem:s17+$0xC4A0];
	v3 =	vadd.f32 v3, v11;
	v4 =	vadd.f32 v4, v11  }
0x62: {  	v17 =	vld [tilespmem:s17+$0xC4B0];
	v0 =	vadd.f32 v5, v11;
	v5 =	vadd.f32 v6, v11  }
0x63: {  	v15 =	vimm.f32 $0.0e+00;
	v18 =	vld [tilespmem:s17+$0xC4C0];
	v1 =	vadd.f32 v7, v11;
	v6 =	vadd.f32 v9, v11  }
0x64: {  	v14 =	vimm.f32 $0.0e+00;
	v19 =	vld [tilespmem:s17+$0xC4D0];
	v7 =	vadd.f32 v10, v11;
	v9 =	vadd.f32 v12, v11  }
0x65: {  	s16 =	simm.s32 $0x800;
	s15 =	simm.s32 $0x100;
	v20 =	vld [tilespmem:s17+$0xC4E0];
	v10 =	vadd.f32 v13, v11;
	v12 =	vimm.f32 $0.0e+00;
	v13 =	vimm.f32 $0.0e+00  }
.LBB2_4:
0x66: {  	p0 =	sne.s32 s16, $0x30C00;
	v21 =	vld [tilespmem:s15+$0xC4F0];
	v11 =	vadd.f32 v16, v11  }
0x67: {  	v16 =	vld [tilespmem:s15+$0xC400];
	v12 =	vadd.f32 v17, v12  }
0x68: {  	v17 =	vld [tilespmem:s15+$0xC410];
	v15 =	vadd.f32 v18, v15  }
0x69: {  	v18 =	vld [tilespmem:s15+$0xC420];
	v13 =	vadd.f32 v19, v13  }
0x6a: {  	v19 =	vld [tilespmem:s15+$0xC430];
	v14 =	vadd.f32 v20, v14  }
0x6b: {  	v20 =	vld [tilespmem:s15+$0xC440];
	v2 =	vadd.f32 v21, v2  }
0x6c: {  	v8 =	vadd.f32 v16, v8;
	v16 =	vld [tilespmem:s15+$0xC450]  }
0x6d: {  	v3 =	vadd.f32 v17, v3;
	v17 =	vld [tilespmem:s15+$0xC460]  }
0x6e: {  	v4 =	vadd.f32 v18, v4;
	v18 =	vld [tilespmem:s15+$0xC470]  }
0x6f: {  	v0 =	vadd.f32 v19, v0;
	v19 =	vld [tilespmem:s15+$0xC480]  }
0x70: {  	v5 =	vadd.f32 v20, v5;
	v20 =	vld [tilespmem:s15+$0xC490]  }
.Ltmp1:
0x71: {  	v1 =	vadd.f32 v16, v1;
	v16 =	vld [tilespmem:s15+$0xC4A0];
	(pc) =	sbr.rel @p0 .LBB2_4-.Ltmp1, $4  }
0x72: {  	v6 =	vadd.f32 v17, v6;
	v17 =	vld [tilespmem:s15+$0xC4B0]  }
0x73: {  	v7 =	vadd.f32 v18, v7;
	v18 =	vld [tilespmem:s15+$0xC4C0]  }
0x74: {  	v9 =	vadd.f32 v19, v9;
	v19 =	vld [tilespmem:s15+$0xC4D0]  }
0x75: {  	v10 =	vadd.f32 v20, v10;
	v20 =	vld [tilespmem:s15+$0xC4E0];
	s15 =	sshra.s32 s16, $0x2;
	s16 =	sadd.s32 $0x400, s16  }
0x76: {  	v21 =	vld [tilespmem:s15+$0xC4F0]  }
0x77: {  	v22 =	vld [tilespmem:s15+$0xC400]  }
0x78: {  	v23 =	vld [tilespmem:s15+$0xC410]  }
0x79: {  	v24 =	vld [tilespmem:s15+$0xC420]  }
0x7a: {  	v25 =	vld [tilespmem:s15+$0xC430]  }
0x7b: {  	v26 =	vld [tilespmem:s15+$0xC440]  }
0x7c: {  	v27 =	vld [tilespmem:s15+$0xC450]  }
0x7d: {  	v28 =	vld [tilespmem:s15+$0xC460]  }
0x7e: {  	v29 =	vld [tilespmem:s15+$0xC470]  }
0x7f: {  	v30 =	vld [tilespmem:s15+$0xC480]  }
0x80: {  	v11 =	vadd.f32 v16, v11;
	v52 =	vld [tilespmem:s15+$0xC490]  }
0x81: {  	v53 =	vld [tilespmem:s15+$0xC4A0];
	v12 =	vadd.f32 v17, v12;
	v15 =	vadd.f32 v18, v15  }
0x82: {  	v54 =	vld [tilespmem:s15+$0xC4B0];
	v13 =	vadd.f32 v19, v13;
	v14 =	vadd.f32 v20, v14  }
0x83: {  	v55 =	vld [tilespmem:s15+$0xC4C0];
	v2 =	vadd.f32 v21, v2;
	v8 =	vadd.f32 v22, v8  }
0x84: {  	v56 =	vld [tilespmem:s15+$0xC4D0];
	v3 =	vadd.f32 v23, v3;
	v4 =	vadd.f32 v24, v4  }
0x85: {  	v57 =	vld [tilespmem:s15+$0xC4E0];
	v0 =	vadd.f32 v25, v0;
	v5 =	vadd.f32 v26, v5  }
0x86: {  	v1 =	vadd.f32 v27, v1;
	v6 =	vadd.f32 v28, v6  }
0x87: {  	v7 =	vadd.f32 v29, v7;
	v9 =	vadd.f32 v30, v9  }
0x88: {  	v10 =	vadd.f32 v52, v10;
	v11 =	vadd.f32 v53, v11  }
0x89: {  	v12 =	vadd.f32 v54, v12;
	v15 =	vadd.f32 v55, v15  }
0x8a: {  	v13 =	vadd.f32 v56, v13;
	v14 =	vadd.f32 v57, v14  }
0x8b: {  	v3 =	vadd.f32 v3, v8;
	v0 =	vadd.f32 v0, v4  }
0x8c: {  	v1 =	vadd.f32 v1, v5;
	v58 =	vadd.f32 v7, v6  }
0x8d: {  	v59 =	vadd.f32 v10, v9;
	v60 =	vadd.f32 v12, v11  }
0x8e: {  	v61 =	vadd.f32 v13, v15;
	v2 =	vadd.f32 v2, v14  }
0x8f: {  	v0 =	vadd.f32 v0, v3;
	v1 =	vadd.f32 v58, v1  }
0x90: {  	v62 =	vadd.f32 v60, v59;
	v2 =	vadd.f32 v2, v61;
	_ =	sdelay $0x1  }
0x91: {  	v0 =	vadd.f32 v1, v0;
	v63 =	vadd.f32 v2, v62;
	_ =	sdelay $0x1  }
0x92: {  	s14 =	sadd.s32 $0x1, s14;
	v0 =	vadd.f32 v63, v0  }
0x93: {  	p0 =	sne.s32 s14, s6  }
.Ltmp2:
0x94: {  	[tilespmem:$0x18880] =	vst v0;
	(pc) =	sbr.rel @p0 .LBB2_1-.Ltmp2, $4  }
0x95: {  	[hbm4b:s5+s2] =	stream.linear.scatter [tilespmem:s12], [sflag:$0x3], $0x100, $0x38;
	[tilespmem:$0x18900] =	vst v63  }
0x96: {  	_ =	swait.ge [sflag:s13], $0x100  }
0x97: {  	[sflag:s13] =	ssyncset.done $0x0  }
0x98: {  	[sflag:s13] =	ssyncadd.s32 $0xFFFFFF00  }
0x99: {  	_ =	sfence.sel $0x180000  }
0x9a: {  	[bflag:$0x0] =	sbarrier.arrive $0xFFFF  }
0x9b: {  	p0 =	sne.s32 s1, $0x0;
	_ =	strace $0x90000047  }
0x9c: {  	s0 =	sadd.s32 @!p0 $0x100000, s0;
	[bflag:$0x2] =	sbarrier.arrive $0xFFFF  }
0x9d: {  	[sflag:s0] =	ssyncadd.tile.s32 @!p0 $0x1;
	_ =	shalt  }
.Lfunc_end2:
_tile_overlayer_lowered:
.L_overlay_start_2:
0x9e: {  	(tag) =	ssettag $0x2  }
0x9f: {  	s0 =	rddreg [dreg:$0x0];
	s2 =	stileid.u32  }
0xa0: {  	s1 =	rddreg [dreg:$0x1];
	p0 =	sne.s32 s2, $0x0  }
0xa1: {  	s3 =	rddreg [dreg:$0x2];
	[bflag:$0x3] =	sbarrier.arrive $0xFFFF;
	s2 =	simm.s32 @!p0 $0x1C03  }
0xa2: {  	[timem:s3], [sflag:s2] =	dma.local @!p0 [hbm:s0], s1  }
0xa3: {  	s0 =	simm.s32 @!p0 $0x3  }
0xa4: {  	_ =	swait.ge @!p0 [sflag:s0], s1  }
0xa5: {  	s1 =	ssub.s32 @!p0 $0x0, s1;
	[sflag:s0] =	ssyncset.done @!p0 $0x0  }
0xa6: {  	[sflag:s0] =	ssyncadd.s32 @!p0 s1  }
0xa7: {  	[bflag:$0x3] =	sbarrier.arrive $0xFFFF  }
0xa8: {  	_ =	shalt  }

</sc_bundles>
